<compile_context>
chip_gen: v7x
topology: tpu7x:2x2x1
jax: 0.10.2.dev20260603
libtpu: 0.0.44.dev20260713+nightly
codegen_flags: <defaults>
</compile_context>

<pallas_src>
import functools

import jax
import jax.numpy as jnp
from jax import lax
from jax.experimental import pallas as pl
from jax.experimental.pallas import tpu as pltpu
from jax.experimental.pallas import tpu_sc as plsc

N = 10000
E = 160000
DIN = 256
H = 100
DP = 128

NC, NS = 2, 16
NW = NC * NS
EPAD = 163840
EW = EPAD // NW
K = 128
NCH = EW // K
NPAD = 10112
RT = NPAD // NS

_MESH = plsc.VectorSubcoreMesh(
    core_axis_name="c", subcore_axis_name="s", num_cores=NC, num_subcores=NS)




@functools.partial(
    pl.kernel,
    out_type=jax.ShapeDtypeStruct((NC * NPAD,), jnp.float32),
    mesh=_MESH,
    scratch_types=[
        pltpu.VMEM((K,), jnp.int32),
        pltpu.VMEM((K,), jnp.float32),
        pltpu.VMEM((RT,), jnp.float32),
        pltpu.VMEM_SHARED((NPAD,), jnp.float32),
    ],
)
def _deg_kernel(dst_hbm, zeros_hbm, ones_hbm, out_hbm,
                idx_v, ones_v, stage_v, acc):
    c = lax.axis_index("c")
    s = lax.axis_index("s")
    wid = s * NC + c
    pltpu.sync_copy(zeros_hbm.at[pl.ds(s * RT, RT)], stage_v)
    pltpu.sync_copy(stage_v, acc.at[pl.ds(s * RT, RT)])
    pltpu.sync_copy(ones_hbm, ones_v)
    plsc.subcore_barrier()

    def body(i, carry):
        base = wid * EW + i * K
        pltpu.sync_copy(dst_hbm.at[pl.ds(base, K)], idx_v)
        pltpu.sync_copy(ones_v, acc.at[idx_v], add=True)
        return carry

    lax.fori_loop(0, NCH, body, 0)
    plsc.subcore_barrier()
    pltpu.sync_copy(acc.at[pl.ds(s * RT, RT)], stage_v)
    pltpu.sync_copy(stage_v, out_hbm.at[pl.ds(c * NPAD + s * RT, RT)])


NB = 2

SNCH = (EPAD // K) // NS
NPH = 2
PNCH = SNCH // NPH


@functools.partial(
    pl.kernel,
    out_type=jax.ShapeDtypeStruct((NPAD, DP), jnp.float32),
    mesh=_MESH,
    scratch_types=[
        pltpu.VMEM((PNCH, K), jnp.int32),
        pltpu.VMEM((PNCH, K), jnp.int32),
        [pltpu.VMEM((K, DP), jnp.float32)] * NB,
        pltpu.VMEM_SHARED((NPAD, DP), jnp.float32),
        [pltpu.SemaphoreType.DMA] * NB,
        [pltpu.SemaphoreType.DMA] * NB,
    ],
)
def _scatter_kernel(g_hbm, src_hbm, dst_hbm, zeros_hbm, out_hbm,
                    sidx, didx, rows, acc, semg, sems):
    c = lax.axis_index("c")
    s = lax.axis_index("s")

    def start_g(j, b):
        pltpu.async_copy(g_hbm.at[sidx.at[j]], rows[b], semg[b])

    def wait_g(b):
        pltpu.make_async_copy(g_hbm.at[sidx.at[0]], rows[b], semg[b]).wait()

    def start_s(j, b):
        pltpu.async_copy(rows[b], acc.at[didx.at[j]], sems[b], add=True)

    def wait_s(b):
        pltpu.make_async_copy(rows[b], acc.at[didx.at[0]], sems[b]).wait()

    def outer(t, carry):
        for b in range(NB):
            j = t * NB + b
            pb = (b - 1) % NB

            @pl.when(t > 0)
            def _():
                wait_s(b)
            start_g(j, b)

            if b > 0:
                wait_g(pb)
                start_s(j - 1, pb)
            else:
                @pl.when(t > 0)
                def _():
                    wait_g(pb)
                    start_s(j - 1, pb)
        return carry

    @pl.when(c == 0)
    def _():
        pltpu.sync_copy(zeros_hbm.at[pl.ds(s * RT, RT)],
                        acc.at[pl.ds(s * RT, RT)])
        plsc.subcore_barrier()
        for p in range(NPH):
            chunk0 = s * SNCH + p * PNCH
            pltpu.sync_copy(src_hbm.at[pl.ds(chunk0, PNCH)], sidx)
            pltpu.sync_copy(dst_hbm.at[pl.ds(chunk0, PNCH)], didx)
            lax.fori_loop(0, PNCH // NB, outer, 0)
            wait_g(NB - 1)
            start_s(PNCH - 1, NB - 1)
            for b in range(NB):
                wait_s(b)
        plsc.subcore_barrier()
        pltpu.sync_copy(acc.at[pl.ds(s * RT, RT)],
                        out_hbm.at[pl.ds(s * RT, RT)])



_RB = 1000


def _mm1_body(x_ref, w_ref, o_ref):
    o_ref[...] = jnp.dot(x_ref[...], w_ref[...],
                         preferred_element_type=jnp.float32)


def _dis(deg0_ref, deg1_ref):
    deg = deg0_ref[...] + deg1_ref[...] + 1.0
    return lax.rsqrt(deg)


def _scale_body(deg0_ref, deg1_ref, h_ref, o_ref):
    o_ref[...] = h_ref[...] * _dis(deg0_ref, deg1_ref)


def _mid_body(accp_ref, deg0_ref, deg1_ref, g1_ref, b1_ref, w2_ref, o_ref):
    dis = _dis(deg0_ref, deg1_ref)
    t = dis * (accp_ref[...] + g1_ref[...]) + b1_ref[...]
    t = jnp.maximum(t, 0.0)
    o_ref[...] = dis * jnp.dot(t, w2_ref[...],
                               preferred_element_type=jnp.float32)


def _fin_body(accp_ref, deg0_ref, deg1_ref, g2_ref, b2_ref, o_ref):
    dis = _dis(deg0_ref, deg1_ref)
    z = dis * (accp_ref[...] + g2_ref[...]) + b2_ref[...]
    z = jnp.maximum(z, 0.0)
    col = lax.broadcasted_iota(jnp.int32, z.shape, 1)
    valid = col < H
    m = jnp.max(jnp.where(valid, z, -jnp.inf), axis=1, keepdims=True)
    ez = jnp.where(valid, jnp.exp(z - m), 0.0)
    lse = jnp.log(jnp.sum(ez, axis=1, keepdims=True)) + m
    o_ref[...] = (z - lse)[:, :H]


def _row_spec(w):
    return pl.BlockSpec((_RB, w), lambda i: (i, 0))


def _full_spec(shape):
    nd = len(shape)
    return pl.BlockSpec(shape, lambda i, _n=nd: (0,) * _n)


_DEG_SPEC = pl.BlockSpec((_RB, 1), lambda i: (i, 0))
_ACCP_SPEC = pl.BlockSpec((_RB, DP), lambda i: (i, 0))

_mm1_call = pl.pallas_call(
    _mm1_body, grid=(N // _RB,),
    in_specs=[_row_spec(DIN), _full_spec((DIN, DP))],
    out_specs=_row_spec(DP),
    out_shape=jax.ShapeDtypeStruct((N, DP), jnp.float32))

_scale_call = pl.pallas_call(
    _scale_body, grid=(N // _RB,),
    in_specs=[_DEG_SPEC, _DEG_SPEC, _row_spec(DP)],
    out_specs=_row_spec(DP),
    out_shape=jax.ShapeDtypeStruct((N, DP), jnp.float32))

_mid_call = pl.pallas_call(
    _mid_body, grid=(N // _RB,),
    in_specs=[_ACCP_SPEC, _DEG_SPEC, _DEG_SPEC, _row_spec(DP),
              _full_spec((1, DP)), _full_spec((DP, DP))],
    out_specs=_row_spec(DP),
    out_shape=jax.ShapeDtypeStruct((N, DP), jnp.float32))

_fin_call = pl.pallas_call(
    _fin_body, grid=(N // _RB,),
    in_specs=[_ACCP_SPEC, _DEG_SPEC, _DEG_SPEC, _row_spec(DP),
              _full_spec((1, DP))],
    out_specs=_row_spec(H),
    out_shape=jax.ShapeDtypeStruct((N, H), jnp.float32))


def kernel(x, edge_index, W1, b1, W2, b2):
    src = edge_index[0].astype(jnp.int32)
    dst = edge_index[1].astype(jnp.int32)
    pad = EPAD - E
    srcp = jnp.concatenate([src, jnp.zeros((pad,), jnp.int32)])
    dstp = jnp.concatenate([dst, jnp.full((pad,), N, jnp.int32)])

    zeros_dp = jnp.zeros((NPAD, DP), jnp.float32)
    zeros_1d = jnp.zeros((NPAD,), jnp.float32)
    ones_1d = jnp.ones((K,), jnp.float32)
    W1p = jnp.zeros((DIN, DP), jnp.float32).at[:, :H].set(W1)
    W2p = jnp.zeros((DP, DP), jnp.float32).at[:H, :H].set(W2)
    b1p = jnp.zeros((1, DP), jnp.float32).at[0, :H].set(b1)
    b2p = jnp.zeros((1, DP), jnp.float32).at[0, :H].set(b2)

    src2 = srcp.reshape(EPAD // K, K)
    dst2 = dstp.reshape(EPAD // K, K)

    degf = _deg_kernel(dstp, zeros_1d, ones_1d)
    deg0 = degf[:N, None]
    deg1 = degf[NPAD:NPAD + N, None]
    h1 = _mm1_call(x, W1p)
    g1 = _scale_call(deg0, deg1, h1)
    acc1 = _scatter_kernel(g1, src2, dst2, zeros_dp)
    g2 = _mid_call(acc1, deg0, deg1, g1, b1p, W2p)
    acc2 = _scatter_kernel(g2, src2, dst2, zeros_dp)
    return _fin_call(acc2, deg0, deg1, g2, b2p)

# --- scband reference (transcript-rebuilt; emitter-appended) ---
"""Pipeline reference for scband-gcn-4226247819279 (READ-ONLY COPY).

The authoritative reference and input builder live on the scoring server;
editing this copy changes nothing except your own understanding.
"""

import jax, jax.numpy as jnp
import numpy as np

NUM_NODES = 10000
IN_DIM = 256
HID_DIM = 100
NUM_EDGES = 160000


def setup_inputs(seed: int = 0) -> dict:
    key = jax.random.key(seed)
    k_x, k_e, k_w1, k_b1, k_w2, k_b2 = jax.random.split(key, 6)
    x = jax.random.normal(k_x, (NUM_NODES, IN_DIM), dtype=jnp.float32)
    edge_index = jax.random.randint(k_e, (2, NUM_EDGES), 0, NUM_NODES, dtype=jnp.int64)
    # GCNConv weights (Glorot-style scale) and biases
    W1 = jax.random.normal(k_w1, (IN_DIM, HID_DIM), dtype=jnp.float32) * (1.0 / np.sqrt(IN_DIM))
    b1 = jnp.zeros((HID_DIM,), dtype=jnp.float32)
    W2 = jax.random.normal(k_w2, (HID_DIM, HID_DIM), dtype=jnp.float32) * (1.0 / np.sqrt(HID_DIM))
    b2 = jnp.zeros((HID_DIM,), dtype=jnp.float32)
    return {"x": x, "edge_index": edge_index, "W1": W1, "b1": b1, "W2": W2, "b2": b2}


def _gcn_conv(x, edge_index, W, b, num_nodes):
    # PyG GCNConv: out = D^{-1/2} (A + I) D^{-1/2} X W + b
    src = edge_index[0]
    dst = edge_index[1]
    loop = jnp.arange(num_nodes, dtype=src.dtype)
    src = jnp.concatenate([src, loop])
    dst = jnp.concatenate([dst, loop])
    deg = jnp.zeros((num_nodes,), dtype=jnp.float32).at[dst].add(1.0)
    deg_inv_sqrt = jnp.where(deg > 0, deg ** -0.5, 0.0)
    norm = deg_inv_sqrt[src] * deg_inv_sqrt[dst]
    h = x @ W
    msg = h[src] * norm[:, None]
    out = jnp.zeros((num_nodes, W.shape[1]), dtype=jnp.float32).at[dst].add(msg)
    return out + b


def reference(x, edge_index, W1, b1, W2, b2):
    num_nodes = x.shape[0]
    h = _gcn_conv(x, edge_index, W1, b1, num_nodes)
    h = jax.nn.relu(h)
    h = _gcn_conv(h, edge_index, W2, b2, num_nodes)
    h = jax.nn.relu(h)
    # flatten(start_dim=1) is a no-op on [N, H]
    return jax.nn.log_softmax(h, axis=1)

if __name__ == "__main__":
    import jax
    _d = setup_inputs()
    print(jax.jit(kernel)(*tuple(_d.values())))

</pallas_src>

<mosaic_0001>
#map = affine_map<(d0, d1) -> (0)>
module attributes {stable_mosaic.version = 14 : i64} {
  func.func @_deg_kernel(%arg0: i32, %arg1: i32, %arg2: memref<163840xi32, #tpu.memory_space<hbm>>, %arg3: memref<10112xf32, #tpu.memory_space<hbm>>, %arg4: memref<128xf32, #tpu.memory_space<hbm>>, %arg5: memref<20224xf32, #tpu.memory_space<hbm>>, %arg6: memref<128xi32, #tpu.memory_space<vmem>>, %arg7: memref<128xf32, #tpu.memory_space<vmem>>, %arg8: memref<632xf32, #tpu.memory_space<vmem>>, %arg9: memref<10112xf32, #tpu.memory_space<vmem_shared>>) attributes {dimension_semantics = [#tpu.dimension_semantics<core_parallel>, #tpu.dimension_semantics<subcore_parallel>], iteration_bounds = array<i64: 2, 16>, scalar_prefetch = 0 : i64, scratch_operands = 4 : i64, tpu.core_type = #tpu.core_type<sc_vector_subcore>, window_params = [{transform_indices = #map}, {transform_indices = #map}, {transform_indices = #map}, {transform_indices = #map}]} {
    %mul3A = arith.constant 2 : i32
    %mul3A_0 = arith.muli %arg1, %mul3A : i32
    %add3A = arith.addi %mul3A_0, %arg0 : i32
    %mul3A_1 = arith.constant 632 : i32
    %mul3A_2 = arith.muli %arg1, %mul3A_1 : i32
    "tpu.region"() ({
      %run_scoped3A = tpu.sem_alloc : memref<!tpu.dma_semaphore, #tpu.memory_space<semaphore_mem>>
      %dma_start3A = tpu.memref_slice %arg3[%mul3A_2] : memref<10112xf32, #tpu.memory_space<hbm>> -> memref<632xf32, #tpu.memory_space<hbm>>
      %dma_start3A_18 = tpu.memref_slice %arg3[%mul3A_2] : memref<10112xf32, #tpu.memory_space<hbm>> -> memref<632xf32, #tpu.memory_space<hbm>>
      tpu.enqueue_dma source(%dma_start3A_18 : memref<632xf32, #tpu.memory_space<hbm>>) target(%arg8 : memref<632xf32, #tpu.memory_space<vmem>>) target_semaphore(%run_scoped3A : memref<!tpu.dma_semaphore, #tpu.memory_space<semaphore_mem>>)
      %dma_wait3A = tpu.memref_slice %arg3[%mul3A_2] : memref<10112xf32, #tpu.memory_space<hbm>> -> memref<632xf32, #tpu.memory_space<hbm>>
      %dma_wait3A_19 = tpu.memref_slice %arg3[%mul3A_2] : memref<10112xf32, #tpu.memory_space<hbm>> -> memref<632xf32, #tpu.memory_space<hbm>>
      tpu.wait_dma2 semaphore(%run_scoped3A : memref<!tpu.dma_semaphore, #tpu.memory_space<semaphore_mem>>) src(%dma_wait3A_19 : memref<632xf32, #tpu.memory_space<hbm>>) dst(%arg8 : memref<632xf32, #tpu.memory_space<vmem>>)
      tpu.yield
    }) : () -> ()
    %mul3A_3 = arith.constant 632 : i32
    %mul3A_4 = arith.muli %arg1, %mul3A_3 : i32
    "tpu.region"() ({
      %run_scoped3A = tpu.sem_alloc : memref<!tpu.dma_semaphore, #tpu.memory_space<semaphore_mem>>
      %dma_start3A = tpu.memref_slice %arg9[%mul3A_4] : memref<10112xf32, #tpu.memory_space<vmem_shared>> -> memref<632xf32, #tpu.memory_space<vmem_shared>>
      %dma_start3A_18 = tpu.memref_slice %arg9[%mul3A_4] : memref<10112xf32, #tpu.memory_space<vmem_shared>> -> memref<632xf32, #tpu.memory_space<vmem_shared>>
      tpu.enqueue_dma source(%arg8 : memref<632xf32, #tpu.memory_space<vmem>>) target(%dma_start3A_18 : memref<632xf32, #tpu.memory_space<vmem_shared>>) target_semaphore(%run_scoped3A : memref<!tpu.dma_semaphore, #tpu.memory_space<semaphore_mem>>)
      %dma_wait3A = tpu.memref_slice %arg9[%mul3A_4] : memref<10112xf32, #tpu.memory_space<vmem_shared>> -> memref<632xf32, #tpu.memory_space<vmem_shared>>
      %dma_wait3A_19 = tpu.memref_slice %arg9[%mul3A_4] : memref<10112xf32, #tpu.memory_space<vmem_shared>> -> memref<632xf32, #tpu.memory_space<vmem_shared>>
      tpu.wait_dma2 semaphore(%run_scoped3A : memref<!tpu.dma_semaphore, #tpu.memory_space<semaphore_mem>>) src(%arg8 : memref<632xf32, #tpu.memory_space<vmem>>) dst(%dma_wait3A_19 : memref<632xf32, #tpu.memory_space<vmem_shared>>)
      tpu.yield
    }) : () -> ()
    "tpu.region"() ({
      %run_scoped3A = tpu.sem_alloc : memref<!tpu.dma_semaphore, #tpu.memory_space<semaphore_mem>>
      tpu.enqueue_dma source(%arg4 : memref<128xf32, #tpu.memory_space<hbm>>) target(%arg7 : memref<128xf32, #tpu.memory_space<vmem>>) target_semaphore(%run_scoped3A : memref<!tpu.dma_semaphore, #tpu.memory_space<semaphore_mem>>)
      tpu.wait_dma2 semaphore(%run_scoped3A : memref<!tpu.dma_semaphore, #tpu.memory_space<semaphore_mem>>) src(%arg4 : memref<128xf32, #tpu.memory_space<hbm>>) dst(%arg7 : memref<128xf32, #tpu.memory_space<vmem>>)
      tpu.yield
    }) : () -> ()
    %barrier3A = arith.constant 0 : index
    tpu.barrier barrier_id(%barrier3A)
    %scan3A = arith.constant 0 : i32
    %scan3A_5 = arith.constant 0 : i32
    %scan3A_6 = arith.constant 40 : i32
    %scan3A_7 = arith.addi %scan3A_5, %scan3A_6 : i32
    %scan3A_8 = arith.constant 1 : i32
    scf.for %scan3A_18 = %scan3A_5 to %scan3A_7 step %scan3A_8  : i32 {
      %mul3A_19 = arith.constant 5120 : i32
      %mul3A_20 = arith.muli %add3A, %mul3A_19 : i32
      %mul3A_21 = arith.constant 128 : i32
      %mul3A_22 = arith.muli %scan3A_18, %mul3A_21 : i32
      %add3A_23 = arith.addi %mul3A_20, %mul3A_22 : i32
      "tpu.region"() ({
        %run_scoped3A = tpu.sem_alloc : memref<!tpu.dma_semaphore, #tpu.memory_space<semaphore_mem>>
        %dma_start3A = tpu.memref_slice %arg2[%add3A_23] : memref<163840xi32, #tpu.memory_space<hbm>> -> memref<128xi32, #tpu.memory_space<hbm>>
        %dma_start3A_24 = tpu.memref_slice %arg2[%add3A_23] : memref<163840xi32, #tpu.memory_space<hbm>> -> memref<128xi32, #tpu.memory_space<hbm>>
        tpu.enqueue_dma source(%dma_start3A_24 : memref<128xi32, #tpu.memory_space<hbm>>) target(%arg6 : memref<128xi32, #tpu.memory_space<vmem>>) target_semaphore(%run_scoped3A : memref<!tpu.dma_semaphore, #tpu.memory_space<semaphore_mem>>)
        %dma_wait3A = tpu.memref_slice %arg2[%add3A_23] : memref<163840xi32, #tpu.memory_space<hbm>> -> memref<128xi32, #tpu.memory_space<hbm>>
        %dma_wait3A_25 = tpu.memref_slice %arg2[%add3A_23] : memref<163840xi32, #tpu.memory_space<hbm>> -> memref<128xi32, #tpu.memory_space<hbm>>
        tpu.wait_dma2 semaphore(%run_scoped3A : memref<!tpu.dma_semaphore, #tpu.memory_space<semaphore_mem>>) src(%dma_wait3A_25 : memref<128xi32, #tpu.memory_space<hbm>>) dst(%arg6 : memref<128xi32, #tpu.memory_space<vmem>>)
        tpu.yield
      }) : () -> ()
      "tpu.region"() ({
        %run_scoped3A = tpu.sem_alloc : memref<!tpu.dma_semaphore, #tpu.memory_space<semaphore_mem>>
        %dma_start3A = arith.constant 0 : i32
        %dma_start3A_24 = tpu.memref_slice %arg9[%dma_start3A] : memref<10112xf32, #tpu.memory_space<vmem_shared>> -> memref<10112xf32, #tpu.memory_space<vmem_shared>>
        tpu.enqueue_indirect_dma source(%arg7 : memref<128xf32, #tpu.memory_space<vmem>>) target(%dma_start3A_24 : memref<10112xf32, #tpu.memory_space<vmem_shared>>) offsets(%arg6 : memref<128xi32, #tpu.memory_space<vmem>>) semaphore(%run_scoped3A : memref<!tpu.dma_semaphore, #tpu.memory_space<semaphore_mem>>) {add = true}
        %dma_wait3A = arith.constant 0 : i32
        %dma_wait3A_25 = tpu.memref_slice %arg9[%dma_wait3A] : memref<10112xf32, #tpu.memory_space<vmem_shared>> -> memref<10112xf32, #tpu.memory_space<vmem_shared>>
        tpu.wait_indirect_dma semaphore(%run_scoped3A : memref<!tpu.dma_semaphore, #tpu.memory_space<semaphore_mem>>) src(%arg7 : memref<128xf32, #tpu.memory_space<vmem>>) dst(%dma_wait3A_25 : memref<10112xf32, #tpu.memory_space<vmem_shared>>)
        tpu.yield
      }) : () -> ()
    }
    %scan3A_9 = arith.constant 40 : i32
    %barrier3A_10 = arith.constant 0 : index
    tpu.barrier barrier_id(%barrier3A_10)
    %mul3A_11 = arith.constant 632 : i32
    %mul3A_12 = arith.muli %arg1, %mul3A_11 : i32
    "tpu.region"() ({
      %run_scoped3A = tpu.sem_alloc : memref<!tpu.dma_semaphore, #tpu.memory_space<semaphore_mem>>
      %dma_start3A = tpu.memref_slice %arg9[%mul3A_12] : memref<10112xf32, #tpu.memory_space<vmem_shared>> -> memref<632xf32, #tpu.memory_space<vmem_shared>>
      %dma_start3A_18 = tpu.memref_slice %arg9[%mul3A_12] : memref<10112xf32, #tpu.memory_space<vmem_shared>> -> memref<632xf32, #tpu.memory_space<vmem_shared>>
      tpu.enqueue_dma source(%dma_start3A_18 : memref<632xf32, #tpu.memory_space<vmem_shared>>) target(%arg8 : memref<632xf32, #tpu.memory_space<vmem>>) target_semaphore(%run_scoped3A : memref<!tpu.dma_semaphore, #tpu.memory_space<semaphore_mem>>)
      %dma_wait3A = tpu.memref_slice %arg9[%mul3A_12] : memref<10112xf32, #tpu.memory_space<vmem_shared>> -> memref<632xf32, #tpu.memory_space<vmem_shared>>
      %dma_wait3A_19 = tpu.memref_slice %arg9[%mul3A_12] : memref<10112xf32, #tpu.memory_space<vmem_shared>> -> memref<632xf32, #tpu.memory_space<vmem_shared>>
      tpu.wait_dma2 semaphore(%run_scoped3A : memref<!tpu.dma_semaphore, #tpu.memory_space<semaphore_mem>>) src(%dma_wait3A_19 : memref<632xf32, #tpu.memory_space<vmem_shared>>) dst(%arg8 : memref<632xf32, #tpu.memory_space<vmem>>)
      tpu.yield
    }) : () -> ()
    %mul3A_13 = arith.constant 10112 : i32
    %mul3A_14 = arith.muli %arg0, %mul3A_13 : i32
    %mul3A_15 = arith.constant 632 : i32
    %mul3A_16 = arith.muli %arg1, %mul3A_15 : i32
    %add3A_17 = arith.addi %mul3A_14, %mul3A_16 : i32
    "tpu.region"() ({
      %run_scoped3A = tpu.sem_alloc : memref<!tpu.dma_semaphore, #tpu.memory_space<semaphore_mem>>
      %dma_start3A = tpu.memref_slice %arg5[%add3A_17] : memref<20224xf32, #tpu.memory_space<hbm>> -> memref<632xf32, #tpu.memory_space<hbm>>
      %dma_start3A_18 = tpu.memref_slice %arg5[%add3A_17] : memref<20224xf32, #tpu.memory_space<hbm>> -> memref<632xf32, #tpu.memory_space<hbm>>
      tpu.enqueue_dma source(%arg8 : memref<632xf32, #tpu.memory_space<vmem>>) target(%dma_start3A_18 : memref<632xf32, #tpu.memory_space<hbm>>) target_semaphore(%run_scoped3A : memref<!tpu.dma_semaphore, #tpu.memory_space<semaphore_mem>>)
      %dma_wait3A = tpu.memref_slice %arg5[%add3A_17] : memref<20224xf32, #tpu.memory_space<hbm>> -> memref<632xf32, #tpu.memory_space<hbm>>
      %dma_wait3A_19 = tpu.memref_slice %arg5[%add3A_17] : memref<20224xf32, #tpu.memory_space<hbm>> -> memref<632xf32, #tpu.memory_space<hbm>>
      tpu.wait_dma2 semaphore(%run_scoped3A : memref<!tpu.dma_semaphore, #tpu.memory_space<semaphore_mem>>) src(%arg8 : memref<632xf32, #tpu.memory_space<vmem>>) dst(%dma_wait3A_19 : memref<632xf32, #tpu.memory_space<hbm>>)
      tpu.yield
    }) : () -> ()
    return
  }
}

#map = affine_map<(d0, d1) -> (0, 0)>
module attributes {stable_mosaic.version = 14 : i64} {
  func.func @_scatter_kernel(%arg0: i32, %arg1: i32, %arg2: memref<10000x128xf32, #tpu.memory_space<hbm>>, %arg3: memref<1280x128xi32, #tpu.memory_space<hbm>>, %arg4: memref<1280x128xi32, #tpu.memory_space<hbm>>, %arg5: memref<10112x128xf32, #tpu.memory_space<hbm>>, %arg6: memref<10112x128xf32, #tpu.memory_space<hbm>>, %arg7: memref<40x128xi32, #tpu.memory_space<vmem>>, %arg8: memref<40x128xi32, #tpu.memory_space<vmem>>, %arg9: memref<128x128xf32, #tpu.memory_space<vmem>>, %arg10: memref<128x128xf32, #tpu.memory_space<vmem>>, %arg11: memref<10112x128xf32, #tpu.memory_space<vmem_shared>>, %arg12: memref<!tpu.dma_semaphore, #tpu.memory_space<semaphore_mem>>, %arg13: memref<!tpu.dma_semaphore, #tpu.memory_space<semaphore_mem>>, %arg14: memref<!tpu.dma_semaphore, #tpu.memory_space<semaphore_mem>>, %arg15: memref<!tpu.dma_semaphore, #tpu.memory_space<semaphore_mem>>) attributes {dimension_semantics = [#tpu.dimension_semantics<core_parallel>, #tpu.dimension_semantics<subcore_parallel>], iteration_bounds = array<i64: 2, 16>, scalar_prefetch = 0 : i64, scratch_operands = 9 : i64, tpu.core_type = #tpu.core_type<sc_vector_subcore>, window_params = [{transform_indices = #map}, {transform_indices = #map}, {transform_indices = #map}, {transform_indices = #map}, {transform_indices = #map}]} {
    %eq3A = arith.constant 0 : i32
    %eq3A_0 = arith.cmpi eq, %arg0, %eq3A : i32
    %convert_element_type3A = arith.extui %eq3A_0 : i1 to i32
    %cond3A = arith.constant 0 : i32
    %cond3A_1 = arith.cmpi ne, %convert_element_type3A, %cond3A : i32
    scf.if %cond3A_1 {
      %mul3A = arith.constant 632 : i32
      %mul3A_2 = arith.muli %arg1, %mul3A : i32
      %mul3A_3 = arith.constant 632 : i32
      %mul3A_4 = arith.muli %arg1, %mul3A_3 : i32
      "tpu.region"() ({
        %run_scoped3A = tpu.sem_alloc : memref<!tpu.dma_semaphore, #tpu.memory_space<semaphore_mem>>
        %dma_start3A_82 = arith.constant 0 : i32
        %dma_start3A_83 = tpu.memref_slice %arg11[%mul3A_4, %dma_start3A_82] : memref<10112x128xf32, #tpu.memory_space<vmem_shared>> -> memref<632x128xf32, #tpu.memory_space<vmem_shared>>
        %dma_start3A_84 = arith.constant 0 : i32
        %dma_start3A_85 = tpu.memref_slice %arg5[%mul3A_2, %dma_start3A_84] : memref<10112x128xf32, #tpu.memory_space<hbm>> -> memref<632x128xf32, #tpu.memory_space<hbm>>
        tpu.enqueue_dma source(%dma_start3A_85 : memref<632x128xf32, #tpu.memory_space<hbm>>) target(%dma_start3A_83 : memref<632x128xf32, #tpu.memory_space<vmem_shared>>) target_semaphore(%run_scoped3A : memref<!tpu.dma_semaphore, #tpu.memory_space<semaphore_mem>>)
        %dma_wait3A_86 = arith.constant 0 : i32
        %dma_wait3A_87 = tpu.memref_slice %arg11[%mul3A_4, %dma_wait3A_86] : memref<10112x128xf32, #tpu.memory_space<vmem_shared>> -> memref<632x128xf32, #tpu.memory_space<vmem_shared>>
        %dma_wait3A_88 = arith.constant 0 : i32
        %dma_wait3A_89 = tpu.memref_slice %arg5[%mul3A_2, %dma_wait3A_88] : memref<10112x128xf32, #tpu.memory_space<hbm>> -> memref<632x128xf32, #tpu.memory_space<hbm>>
        tpu.wait_dma2 semaphore(%run_scoped3A : memref<!tpu.dma_semaphore, #tpu.memory_space<semaphore_mem>>) src(%dma_wait3A_89 : memref<632x128xf32, #tpu.memory_space<hbm>>) dst(%dma_wait3A_87 : memref<632x128xf32, #tpu.memory_space<vmem_shared>>)
        tpu.yield
      }) : () -> ()
      %barrier3A = arith.constant 0 : index
      tpu.barrier barrier_id(%barrier3A)
      %mul3A_5 = arith.constant 80 : i32
      %mul3A_6 = arith.muli %arg1, %mul3A_5 : i32
      %add3A = arith.constant 0 : i32
      %add3A_7 = arith.addi %mul3A_6, %add3A : i32
      "tpu.region"() ({
        %run_scoped3A = tpu.sem_alloc : memref<!tpu.dma_semaphore, #tpu.memory_space<semaphore_mem>>
        %dma_start3A_82 = arith.constant 0 : i32
        %dma_start3A_83 = tpu.memref_slice %arg3[%add3A_7, %dma_start3A_82] : memref<1280x128xi32, #tpu.memory_space<hbm>> -> memref<40x128xi32, #tpu.memory_space<hbm>>
        %dma_start3A_84 = arith.constant 0 : i32
        %dma_start3A_85 = tpu.memref_slice %arg3[%add3A_7, %dma_start3A_84] : memref<1280x128xi32, #tpu.memory_space<hbm>> -> memref<40x128xi32, #tpu.memory_space<hbm>>
        tpu.enqueue_dma source(%dma_start3A_85 : memref<40x128xi32, #tpu.memory_space<hbm>>) target(%arg7 : memref<40x128xi32, #tpu.memory_space<vmem>>) target_semaphore(%run_scoped3A : memref<!tpu.dma_semaphore, #tpu.memory_space<semaphore_mem>>)
        %dma_wait3A_86 = arith.constant 0 : i32
        %dma_wait3A_87 = tpu.memref_slice %arg3[%add3A_7, %dma_wait3A_86] : memref<1280x128xi32, #tpu.memory_space<hbm>> -> memref<40x128xi32, #tpu.memory_space<hbm>>
        %dma_wait3A_88 = arith.constant 0 : i32
        %dma_wait3A_89 = tpu.memref_slice %arg3[%add3A_7, %dma_wait3A_88] : memref<1280x128xi32, #tpu.memory_space<hbm>> -> memref<40x128xi32, #tpu.memory_space<hbm>>
        tpu.wait_dma2 semaphore(%run_scoped3A : memref<!tpu.dma_semaphore, #tpu.memory_space<semaphore_mem>>) src(%dma_wait3A_89 : memref<40x128xi32, #tpu.memory_space<hbm>>) dst(%arg7 : memref<40x128xi32, #tpu.memory_space<vmem>>)
        tpu.yield
      }) : () -> ()
      "tpu.region"() ({
        %run_scoped3A = tpu.sem_alloc : memref<!tpu.dma_semaphore, #tpu.memory_space<semaphore_mem>>
        %dma_start3A_82 = arith.constant 0 : i32
        %dma_start3A_83 = tpu.memref_slice %arg4[%add3A_7, %dma_start3A_82] : memref<1280x128xi32, #tpu.memory_space<hbm>> -> memref<40x128xi32, #tpu.memory_space<hbm>>
        %dma_start3A_84 = arith.constant 0 : i32
        %dma_start3A_85 = tpu.memref_slice %arg4[%add3A_7, %dma_start3A_84] : memref<1280x128xi32, #tpu.memory_space<hbm>> -> memref<40x128xi32, #tpu.memory_space<hbm>>
        tpu.enqueue_dma source(%dma_start3A_85 : memref<40x128xi32, #tpu.memory_space<hbm>>) target(%arg8 : memref<40x128xi32, #tpu.memory_space<vmem>>) target_semaphore(%run_scoped3A : memref<!tpu.dma_semaphore, #tpu.memory_space<semaphore_mem>>)
        %dma_wait3A_86 = arith.constant 0 : i32
        %dma_wait3A_87 = tpu.memref_slice %arg4[%add3A_7, %dma_wait3A_86] : memref<1280x128xi32, #tpu.memory_space<hbm>> -> memref<40x128xi32, #tpu.memory_space<hbm>>
        %dma_wait3A_88 = arith.constant 0 : i32
        %dma_wait3A_89 = tpu.memref_slice %arg4[%add3A_7, %dma_wait3A_88] : memref<1280x128xi32, #tpu.memory_space<hbm>> -> memref<40x128xi32, #tpu.memory_space<hbm>>
        tpu.wait_dma2 semaphore(%run_scoped3A : memref<!tpu.dma_semaphore, #tpu.memory_space<semaphore_mem>>) src(%dma_wait3A_89 : memref<40x128xi32, #tpu.memory_space<hbm>>) dst(%arg8 : memref<40x128xi32, #tpu.memory_space<vmem>>)
        tpu.yield
      }) : () -> ()
      %scan3A = arith.constant 0 : i32
      %scan3A_8 = arith.constant 0 : i32
      %scan3A_9 = arith.constant 20 : i32
      %scan3A_10 = arith.addi %scan3A_8, %scan3A_9 : i32
      %scan3A_11 = arith.constant 1 : i32
      scf.for %scan3A_82 = %scan3A_8 to %scan3A_10 step %scan3A_11  : i32 {
        %mul3A_83 = arith.constant 2 : i32
        %mul3A_84 = arith.muli %scan3A_82, %mul3A_83 : i32
        %add3A_85 = arith.constant 0 : i32
        %add3A_86 = arith.addi %mul3A_84, %add3A_85 : i32
        %gt3A = arith.constant 0 : i32
        %gt3A_87 = arith.cmpi sgt, %scan3A_82, %gt3A : i32
        %convert_element_type3A_88 = arith.extui %gt3A_87 : i1 to i32
        %cond3A_89 = arith.constant 0 : i32
        %cond3A_90 = arith.cmpi ne, %convert_element_type3A_88, %cond3A_89 : i32
        scf.if %cond3A_90 {
          %dma_wait3A_131 = arith.constant 0 : i32
          %dma_wait3A_132 = arith.constant 0 : i32
          %dma_wait3A_133 = tpu.memref_slice %arg8[%dma_wait3A_131, %dma_wait3A_132] : memref<40x128xi32, #tpu.memory_space<vmem>> -> memref<1x128xi32, #tpu.memory_space<vmem>>
          %dma_wait3A_134 = tpu.memref_squeeze %dma_wait3A_133 : memref<1x128xi32, #tpu.memory_space<vmem>> -> memref<128xi32, #tpu.memory_space<vmem>>
          %dma_wait3A_135 = arith.constant 0 : i32
          %dma_wait3A_136 = arith.constant 0 : i32
          %dma_wait3A_137 = tpu.memref_slice %arg11[%dma_wait3A_135, %dma_wait3A_136] : memref<10112x128xf32, #tpu.memory_space<vmem_shared>> -> memref<10112x128xf32, #tpu.memory_space<vmem_shared>>
          tpu.wait_indirect_dma semaphore(%arg14 : memref<!tpu.dma_semaphore, #tpu.memory_space<semaphore_mem>>) src(%arg9 : memref<128x128xf32, #tpu.memory_space<vmem>>) dst(%dma_wait3A_137 : memref<10112x128xf32, #tpu.memory_space<vmem_shared>>)
        } else {
        }
        %dma_start3A_91 = arith.constant 0 : i32
        %dma_start3A_92 = tpu.memref_slice %arg7[%add3A_86, %dma_start3A_91] : memref<40x128xi32, #tpu.memory_space<vmem>> -> memref<1x128xi32, #tpu.memory_space<vmem>>
        %dma_start3A_93 = tpu.memref_squeeze %dma_start3A_92 : memref<1x128xi32, #tpu.memory_space<vmem>> -> memref<128xi32, #tpu.memory_space<vmem>>
        %dma_start3A_94 = arith.constant 0 : i32
        %dma_start3A_95 = arith.constant 0 : i32
        %dma_start3A_96 = tpu.memref_slice %arg2[%dma_start3A_94, %dma_start3A_95] : memref<10000x128xf32, #tpu.memory_space<hbm>> -> memref<10000x128xf32, #tpu.memory_space<hbm>>
        tpu.enqueue_indirect_dma source(%dma_start3A_96 : memref<10000x128xf32, #tpu.memory_space<hbm>>) target(%arg9 : memref<128x128xf32, #tpu.memory_space<vmem>>) offsets(%dma_start3A_93 : memref<128xi32, #tpu.memory_space<vmem>>) semaphore(%arg12 : memref<!tpu.dma_semaphore, #tpu.memory_space<semaphore_mem>>)
        %gt3A_97 = arith.constant 0 : i32
        %gt3A_98 = arith.cmpi sgt, %scan3A_82, %gt3A_97 : i32
        %convert_element_type3A_99 = arith.extui %gt3A_98 : i1 to i32
        %cond3A_100 = arith.constant 0 : i32
        %cond3A_101 = arith.cmpi ne, %convert_element_type3A_99, %cond3A_100 : i32
        scf.if %cond3A_101 {
          %dma_wait3A_131 = arith.constant 0 : i32
          %dma_wait3A_132 = arith.constant 0 : i32
          %dma_wait3A_133 = tpu.memref_slice %arg7[%dma_wait3A_131, %dma_wait3A_132] : memref<40x128xi32, #tpu.memory_space<vmem>> -> memref<1x128xi32, #tpu.memory_space<vmem>>
          %dma_wait3A_134 = tpu.memref_squeeze %dma_wait3A_133 : memref<1x128xi32, #tpu.memory_space<vmem>> -> memref<128xi32, #tpu.memory_space<vmem>>
          %dma_wait3A_135 = arith.constant 0 : i32
          %dma_wait3A_136 = arith.constant 0 : i32
          %dma_wait3A_137 = tpu.memref_slice %arg2[%dma_wait3A_135, %dma_wait3A_136] : memref<10000x128xf32, #tpu.memory_space<hbm>> -> memref<10000x128xf32, #tpu.memory_space<hbm>>
          tpu.wait_indirect_dma semaphore(%arg13 : memref<!tpu.dma_semaphore, #tpu.memory_space<semaphore_mem>>) src(%dma_wait3A_137 : memref<10000x128xf32, #tpu.memory_space<hbm>>) dst(%arg10 : memref<128x128xf32, #tpu.memory_space<vmem>>)
          %sub3A_138 = arith.constant 1 : i32
          %sub3A_139 = arith.subi %add3A_86, %sub3A_138 : i32
          %dma_start3A_140 = arith.constant 0 : i32
          %dma_start3A_141 = tpu.memref_slice %arg8[%sub3A_139, %dma_start3A_140] : memref<40x128xi32, #tpu.memory_space<vmem>> -> memref<1x128xi32, #tpu.memory_space<vmem>>
          %dma_start3A_142 = tpu.memref_squeeze %dma_start3A_141 : memref<1x128xi32, #tpu.memory_space<vmem>> -> memref<128xi32, #tpu.memory_space<vmem>>
          %dma_start3A_143 = arith.constant 0 : i32
          %dma_start3A_144 = arith.constant 0 : i32
          %dma_start3A_145 = tpu.memref_slice %arg11[%dma_start3A_143, %dma_start3A_144] : memref<10112x128xf32, #tpu.memory_space<vmem_shared>> -> memref<10112x128xf32, #tpu.memory_space<vmem_shared>>
          tpu.enqueue_indirect_dma source(%arg10 : memref<128x128xf32, #tpu.memory_space<vmem>>) target(%dma_start3A_145 : memref<10112x128xf32, #tpu.memory_space<vmem_shared>>) offsets(%dma_start3A_142 : memref<128xi32, #tpu.memory_space<vmem>>) semaphore(%arg15 : memref<!tpu.dma_semaphore, #tpu.memory_space<semaphore_mem>>) {add = true}
        } else {
        }
        %mul3A_102 = arith.constant 2 : i32
        %mul3A_103 = arith.muli %scan3A_82, %mul3A_102 : i32
        %add3A_104 = arith.constant 1 : i32
        %add3A_105 = arith.addi %mul3A_103, %add3A_104 : i32
        %gt3A_106 = arith.constant 0 : i32
        %gt3A_107 = arith.cmpi sgt, %scan3A_82, %gt3A_106 : i32
        %convert_element_type3A_108 = arith.extui %gt3A_107 : i1 to i32
        %cond3A_109 = arith.constant 0 : i32
        %cond3A_110 = arith.cmpi ne, %convert_element_type3A_108, %cond3A_109 : i32
        scf.if %cond3A_110 {
          %dma_wait3A_131 = arith.constant 0 : i32
          %dma_wait3A_132 = arith.constant 0 : i32
          %dma_wait3A_133 = tpu.memref_slice %arg8[%dma_wait3A_131, %dma_wait3A_132] : memref<40x128xi32, #tpu.memory_space<vmem>> -> memref<1x128xi32, #tpu.memory_space<vmem>>
          %dma_wait3A_134 = tpu.memref_squeeze %dma_wait3A_133 : memref<1x128xi32, #tpu.memory_space<vmem>> -> memref<128xi32, #tpu.memory_space<vmem>>
          %dma_wait3A_135 = arith.constant 0 : i32
          %dma_wait3A_136 = arith.constant 0 : i32
          %dma_wait3A_137 = tpu.memref_slice %arg11[%dma_wait3A_135, %dma_wait3A_136] : memref<10112x128xf32, #tpu.memory_space<vmem_shared>> -> memref<10112x128xf32, #tpu.memory_space<vmem_shared>>
          tpu.wait_indirect_dma semaphore(%arg15 : memref<!tpu.dma_semaphore, #tpu.memory_space<semaphore_mem>>) src(%arg10 : memref<128x128xf32, #tpu.memory_space<vmem>>) dst(%dma_wait3A_137 : memref<10112x128xf32, #tpu.memory_space<vmem_shared>>)
        } else {
        }
        %dma_start3A_111 = arith.constant 0 : i32
        %dma_start3A_112 = tpu.memref_slice %arg7[%add3A_105, %dma_start3A_111] : memref<40x128xi32, #tpu.memory_space<vmem>> -> memref<1x128xi32, #tpu.memory_space<vmem>>
        %dma_start3A_113 = tpu.memref_squeeze %dma_start3A_112 : memref<1x128xi32, #tpu.memory_space<vmem>> -> memref<128xi32, #tpu.memory_space<vmem>>
        %dma_start3A_114 = arith.constant 0 : i32
        %dma_start3A_115 = arith.constant 0 : i32
        %dma_start3A_116 = tpu.memref_slice %arg2[%dma_start3A_114, %dma_start3A_115] : memref<10000x128xf32, #tpu.memory_space<hbm>> -> memref<10000x128xf32, #tpu.memory_space<hbm>>
        tpu.enqueue_indirect_dma source(%dma_start3A_116 : memref<10000x128xf32, #tpu.memory_space<hbm>>) target(%arg10 : memref<128x128xf32, #tpu.memory_space<vmem>>) offsets(%dma_start3A_113 : memref<128xi32, #tpu.memory_space<vmem>>) semaphore(%arg13 : memref<!tpu.dma_semaphore, #tpu.memory_space<semaphore_mem>>)
        %dma_wait3A_117 = arith.constant 0 : i32
        %dma_wait3A_118 = arith.constant 0 : i32
        %dma_wait3A_119 = tpu.memref_slice %arg7[%dma_wait3A_117, %dma_wait3A_118] : memref<40x128xi32, #tpu.memory_space<vmem>> -> memref<1x128xi32, #tpu.memory_space<vmem>>
        %dma_wait3A_120 = tpu.memref_squeeze %dma_wait3A_119 : memref<1x128xi32, #tpu.memory_space<vmem>> -> memref<128xi32, #tpu.memory_space<vmem>>
        %dma_wait3A_121 = arith.constant 0 : i32
        %dma_wait3A_122 = arith.constant 0 : i32
        %dma_wait3A_123 = tpu.memref_slice %arg2[%dma_wait3A_121, %dma_wait3A_122] : memref<10000x128xf32, #tpu.memory_space<hbm>> -> memref<10000x128xf32, #tpu.memory_space<hbm>>
        tpu.wait_indirect_dma semaphore(%arg12 : memref<!tpu.dma_semaphore, #tpu.memory_space<semaphore_mem>>) src(%dma_wait3A_123 : memref<10000x128xf32, #tpu.memory_space<hbm>>) dst(%arg9 : memref<128x128xf32, #tpu.memory_space<vmem>>)
        %sub3A = arith.constant 1 : i32
        %sub3A_124 = arith.subi %add3A_105, %sub3A : i32
        %dma_start3A_125 = arith.constant 0 : i32
        %dma_start3A_126 = tpu.memref_slice %arg8[%sub3A_124, %dma_start3A_125] : memref<40x128xi32, #tpu.memory_space<vmem>> -> memref<1x128xi32, #tpu.memory_space<vmem>>
        %dma_start3A_127 = tpu.memref_squeeze %dma_start3A_126 : memref<1x128xi32, #tpu.memory_space<vmem>> -> memref<128xi32, #tpu.memory_space<vmem>>
        %dma_start3A_128 = arith.constant 0 : i32
        %dma_start3A_129 = arith.constant 0 : i32
        %dma_start3A_130 = tpu.memref_slice %arg11[%dma_start3A_128, %dma_start3A_129] : memref<10112x128xf32, #tpu.memory_space<vmem_shared>> -> memref<10112x128xf32, #tpu.memory_space<vmem_shared>>
        tpu.enqueue_indirect_dma source(%arg9 : memref<128x128xf32, #tpu.memory_space<vmem>>) target(%dma_start3A_130 : memref<10112x128xf32, #tpu.memory_space<vmem_shared>>) offsets(%dma_start3A_127 : memref<128xi32, #tpu.memory_space<vmem>>) semaphore(%arg14 : memref<!tpu.dma_semaphore, #tpu.memory_space<semaphore_mem>>) {add = true}
      }
      %scan3A_12 = arith.constant 20 : i32
      %dma_wait3A = arith.constant 0 : i32
      %dma_wait3A_13 = arith.constant 0 : i32
      %dma_wait3A_14 = tpu.memref_slice %arg7[%dma_wait3A, %dma_wait3A_13] : memref<40x128xi32, #tpu.memory_space<vmem>> -> memref<1x128xi32, #tpu.memory_space<vmem>>
      %dma_wait3A_15 = tpu.memref_squeeze %dma_wait3A_14 : memref<1x128xi32, #tpu.memory_space<vmem>> -> memref<128xi32, #tpu.memory_space<vmem>>
      %dma_wait3A_16 = arith.constant 0 : i32
      %dma_wait3A_17 = arith.constant 0 : i32
      %dma_wait3A_18 = tpu.memref_slice %arg2[%dma_wait3A_16, %dma_wait3A_17] : memref<10000x128xf32, #tpu.memory_space<hbm>> -> memref<10000x128xf32, #tpu.memory_space<hbm>>
      tpu.wait_indirect_dma semaphore(%arg13 : memref<!tpu.dma_semaphore, #tpu.memory_space<semaphore_mem>>) src(%dma_wait3A_18 : memref<10000x128xf32, #tpu.memory_space<hbm>>) dst(%arg10 : memref<128x128xf32, #tpu.memory_space<vmem>>)
      %dma_start3A = arith.constant 39 : i32
      %dma_start3A_19 = arith.constant 0 : i32
      %dma_start3A_20 = tpu.memref_slice %arg8[%dma_start3A, %dma_start3A_19] : memref<40x128xi32, #tpu.memory_space<vmem>> -> memref<1x128xi32, #tpu.memory_space<vmem>>
      %dma_start3A_21 = tpu.memref_squeeze %dma_start3A_20 : memref<1x128xi32, #tpu.memory_space<vmem>> -> memref<128xi32, #tpu.memory_space<vmem>>
      %dma_start3A_22 = arith.constant 0 : i32
      %dma_start3A_23 = arith.constant 0 : i32
      %dma_start3A_24 = tpu.memref_slice %arg11[%dma_start3A_22, %dma_start3A_23] : memref<10112x128xf32, #tpu.memory_space<vmem_shared>> -> memref<10112x128xf32, #tpu.memory_space<vmem_shared>>
      tpu.enqueue_indirect_dma source(%arg10 : memref<128x128xf32, #tpu.memory_space<vmem>>) target(%dma_start3A_24 : memref<10112x128xf32, #tpu.memory_space<vmem_shared>>) offsets(%dma_start3A_21 : memref<128xi32, #tpu.memory_space<vmem>>) semaphore(%arg15 : memref<!tpu.dma_semaphore, #tpu.memory_space<semaphore_mem>>) {add = true}
      %dma_wait3A_25 = arith.constant 0 : i32
      %dma_wait3A_26 = arith.constant 0 : i32
      %dma_wait3A_27 = tpu.memref_slice %arg8[%dma_wait3A_25, %dma_wait3A_26] : memref<40x128xi32, #tpu.memory_space<vmem>> -> memref<1x128xi32, #tpu.memory_space<vmem>>
      %dma_wait3A_28 = tpu.memref_squeeze %dma_wait3A_27 : memref<1x128xi32, #tpu.memory_space<vmem>> -> memref<128xi32, #tpu.memory_space<vmem>>
      %dma_wait3A_29 = arith.constant 0 : i32
      %dma_wait3A_30 = arith.constant 0 : i32
      %dma_wait3A_31 = tpu.memref_slice %arg11[%dma_wait3A_29, %dma_wait3A_30] : memref<10112x128xf32, #tpu.memory_space<vmem_shared>> -> memref<10112x128xf32, #tpu.memory_space<vmem_shared>>
      tpu.wait_indirect_dma semaphore(%arg14 : memref<!tpu.dma_semaphore, #tpu.memory_space<semaphore_mem>>) src(%arg9 : memref<128x128xf32, #tpu.memory_space<vmem>>) dst(%dma_wait3A_31 : memref<10112x128xf32, #tpu.memory_space<vmem_shared>>)
      %dma_wait3A_32 = arith.constant 0 : i32
      %dma_wait3A_33 = arith.constant 0 : i32
      %dma_wait3A_34 = tpu.memref_slice %arg8[%dma_wait3A_32, %dma_wait3A_33] : memref<40x128xi32, #tpu.memory_space<vmem>> -> memref<1x128xi32, #tpu.memory_space<vmem>>
      %dma_wait3A_35 = tpu.memref_squeeze %dma_wait3A_34 : memref<1x128xi32, #tpu.memory_space<vmem>> -> memref<128xi32, #tpu.memory_space<vmem>>
      %dma_wait3A_36 = arith.constant 0 : i32
      %dma_wait3A_37 = arith.constant 0 : i32
      %dma_wait3A_38 = tpu.memref_slice %arg11[%dma_wait3A_36, %dma_wait3A_37] : memref<10112x128xf32, #tpu.memory_space<vmem_shared>> -> memref<10112x128xf32, #tpu.memory_space<vmem_shared>>
      tpu.wait_indirect_dma semaphore(%arg15 : memref<!tpu.dma_semaphore, #tpu.memory_space<semaphore_mem>>) src(%arg10 : memref<128x128xf32, #tpu.memory_space<vmem>>) dst(%dma_wait3A_38 : memref<10112x128xf32, #tpu.memory_space<vmem_shared>>)
      %mul3A_39 = arith.constant 80 : i32
      %mul3A_40 = arith.muli %arg1, %mul3A_39 : i32
      %add3A_41 = arith.constant 40 : i32
      %add3A_42 = arith.addi %mul3A_40, %add3A_41 : i32
      "tpu.region"() ({
        %run_scoped3A = tpu.sem_alloc : memref<!tpu.dma_semaphore, #tpu.memory_space<semaphore_mem>>
        %dma_start3A_82 = arith.constant 0 : i32
        %dma_start3A_83 = tpu.memref_slice %arg3[%add3A_42, %dma_start3A_82] : memref<1280x128xi32, #tpu.memory_space<hbm>> -> memref<40x128xi32, #tpu.memory_space<hbm>>
        %dma_start3A_84 = arith.constant 0 : i32
        %dma_start3A_85 = tpu.memref_slice %arg3[%add3A_42, %dma_start3A_84] : memref<1280x128xi32, #tpu.memory_space<hbm>> -> memref<40x128xi32, #tpu.memory_space<hbm>>
        tpu.enqueue_dma source(%dma_start3A_85 : memref<40x128xi32, #tpu.memory_space<hbm>>) target(%arg7 : memref<40x128xi32, #tpu.memory_space<vmem>>) target_semaphore(%run_scoped3A : memref<!tpu.dma_semaphore, #tpu.memory_space<semaphore_mem>>)
        %dma_wait3A_86 = arith.constant 0 : i32
        %dma_wait3A_87 = tpu.memref_slice %arg3[%add3A_42, %dma_wait3A_86] : memref<1280x128xi32, #tpu.memory_space<hbm>> -> memref<40x128xi32, #tpu.memory_space<hbm>>
        %dma_wait3A_88 = arith.constant 0 : i32
        %dma_wait3A_89 = tpu.memref_slice %arg3[%add3A_42, %dma_wait3A_88] : memref<1280x128xi32, #tpu.memory_space<hbm>> -> memref<40x128xi32, #tpu.memory_space<hbm>>
        tpu.wait_dma2 semaphore(%run_scoped3A : memref<!tpu.dma_semaphore, #tpu.memory_space<semaphore_mem>>) src(%dma_wait3A_89 : memref<40x128xi32, #tpu.memory_space<hbm>>) dst(%arg7 : memref<40x128xi32, #tpu.memory_space<vmem>>)
        tpu.yield
      }) : () -> ()
      "tpu.region"() ({
        %run_scoped3A = tpu.sem_alloc : memref<!tpu.dma_semaphore, #tpu.memory_space<semaphore_mem>>
        %dma_start3A_82 = arith.constant 0 : i32
        %dma_start3A_83 = tpu.memref_slice %arg4[%add3A_42, %dma_start3A_82] : memref<1280x128xi32, #tpu.memory_space<hbm>> -> memref<40x128xi32, #tpu.memory_space<hbm>>
        %dma_start3A_84 = arith.constant 0 : i32
        %dma_start3A_85 = tpu.memref_slice %arg4[%add3A_42, %dma_start3A_84] : memref<1280x128xi32, #tpu.memory_space<hbm>> -> memref<40x128xi32, #tpu.memory_space<hbm>>
        tpu.enqueue_dma source(%dma_start3A_85 : memref<40x128xi32, #tpu.memory_space<hbm>>) target(%arg8 : memref<40x128xi32, #tpu.memory_space<vmem>>) target_semaphore(%run_scoped3A : memref<!tpu.dma_semaphore, #tpu.memory_space<semaphore_mem>>)
        %dma_wait3A_86 = arith.constant 0 : i32
        %dma_wait3A_87 = tpu.memref_slice %arg4[%add3A_42, %dma_wait3A_86] : memref<1280x128xi32, #tpu.memory_space<hbm>> -> memref<40x128xi32, #tpu.memory_space<hbm>>
        %dma_wait3A_88 = arith.constant 0 : i32
        %dma_wait3A_89 = tpu.memref_slice %arg4[%add3A_42, %dma_wait3A_88] : memref<1280x128xi32, #tpu.memory_space<hbm>> -> memref<40x128xi32, #tpu.memory_space<hbm>>
        tpu.wait_dma2 semaphore(%run_scoped3A : memref<!tpu.dma_semaphore, #tpu.memory_space<semaphore_mem>>) src(%dma_wait3A_89 : memref<40x128xi32, #tpu.memory_space<hbm>>) dst(%arg8 : memref<40x128xi32, #tpu.memory_space<vmem>>)
        tpu.yield
      }) : () -> ()
      %scan3A_43 = arith.constant 0 : i32
      %scan3A_44 = arith.constant 0 : i32
      %scan3A_45 = arith.constant 20 : i32
      %scan3A_46 = arith.addi %scan3A_44, %scan3A_45 : i32
      %scan3A_47 = arith.constant 1 : i32
      scf.for %scan3A_82 = %scan3A_44 to %scan3A_46 step %scan3A_47  : i32 {
        %mul3A_83 = arith.constant 2 : i32
        %mul3A_84 = arith.muli %scan3A_82, %mul3A_83 : i32
        %add3A_85 = arith.constant 0 : i32
        %add3A_86 = arith.addi %mul3A_84, %add3A_85 : i32
        %gt3A = arith.constant 0 : i32
        %gt3A_87 = arith.cmpi sgt, %scan3A_82, %gt3A : i32
        %convert_element_type3A_88 = arith.extui %gt3A_87 : i1 to i32
        %cond3A_89 = arith.constant 0 : i32
        %cond3A_90 = arith.cmpi ne, %convert_element_type3A_88, %cond3A_89 : i32
        scf.if %cond3A_90 {
          %dma_wait3A_131 = arith.constant 0 : i32
          %dma_wait3A_132 = arith.constant 0 : i32
          %dma_wait3A_133 = tpu.memref_slice %arg8[%dma_wait3A_131, %dma_wait3A_132] : memref<40x128xi32, #tpu.memory_space<vmem>> -> memref<1x128xi32, #tpu.memory_space<vmem>>
          %dma_wait3A_134 = tpu.memref_squeeze %dma_wait3A_133 : memref<1x128xi32, #tpu.memory_space<vmem>> -> memref<128xi32, #tpu.memory_space<vmem>>
          %dma_wait3A_135 = arith.constant 0 : i32
          %dma_wait3A_136 = arith.constant 0 : i32
          %dma_wait3A_137 = tpu.memref_slice %arg11[%dma_wait3A_135, %dma_wait3A_136] : memref<10112x128xf32, #tpu.memory_space<vmem_shared>> -> memref<10112x128xf32, #tpu.memory_space<vmem_shared>>
          tpu.wait_indirect_dma semaphore(%arg14 : memref<!tpu.dma_semaphore, #tpu.memory_space<semaphore_mem>>) src(%arg9 : memref<128x128xf32, #tpu.memory_space<vmem>>) dst(%dma_wait3A_137 : memref<10112x128xf32, #tpu.memory_space<vmem_shared>>)
        } else {
        }
        %dma_start3A_91 = arith.constant 0 : i32
        %dma_start3A_92 = tpu.memref_slice %arg7[%add3A_86, %dma_start3A_91] : memref<40x128xi32, #tpu.memory_space<vmem>> -> memref<1x128xi32, #tpu.memory_space<vmem>>
        %dma_start3A_93 = tpu.memref_squeeze %dma_start3A_92 : memref<1x128xi32, #tpu.memory_space<vmem>> -> memref<128xi32, #tpu.memory_space<vmem>>
        %dma_start3A_94 = arith.constant 0 : i32
        %dma_start3A_95 = arith.constant 0 : i32
        %dma_start3A_96 = tpu.memref_slice %arg2[%dma_start3A_94, %dma_start3A_95] : memref<10000x128xf32, #tpu.memory_space<hbm>> -> memref<10000x128xf32, #tpu.memory_space<hbm>>
        tpu.enqueue_indirect_dma source(%dma_start3A_96 : memref<10000x128xf32, #tpu.memory_space<hbm>>) target(%arg9 : memref<128x128xf32, #tpu.memory_space<vmem>>) offsets(%dma_start3A_93 : memref<128xi32, #tpu.memory_space<vmem>>) semaphore(%arg12 : memref<!tpu.dma_semaphore, #tpu.memory_space<semaphore_mem>>)
        %gt3A_97 = arith.constant 0 : i32
        %gt3A_98 = arith.cmpi sgt, %scan3A_82, %gt3A_97 : i32
        %convert_element_type3A_99 = arith.extui %gt3A_98 : i1 to i32
        %cond3A_100 = arith.constant 0 : i32
        %cond3A_101 = arith.cmpi ne, %convert_element_type3A_99, %cond3A_100 : i32
        scf.if %cond3A_101 {
          %dma_wait3A_131 = arith.constant 0 : i32
          %dma_wait3A_132 = arith.constant 0 : i32
          %dma_wait3A_133 = tpu.memref_slice %arg7[%dma_wait3A_131, %dma_wait3A_132] : memref<40x128xi32, #tpu.memory_space<vmem>> -> memref<1x128xi32, #tpu.memory_space<vmem>>
          %dma_wait3A_134 = tpu.memref_squeeze %dma_wait3A_133 : memref<1x128xi32, #tpu.memory_space<vmem>> -> memref<128xi32, #tpu.memory_space<vmem>>
          %dma_wait3A_135 = arith.constant 0 : i32
          %dma_wait3A_136 = arith.constant 0 : i32
          %dma_wait3A_137 = tpu.memref_slice %arg2[%dma_wait3A_135, %dma_wait3A_136] : memref<10000x128xf32, #tpu.memory_space<hbm>> -> memref<10000x128xf32, #tpu.memory_space<hbm>>
          tpu.wait_indirect_dma semaphore(%arg13 : memref<!tpu.dma_semaphore, #tpu.memory_space<semaphore_mem>>) src(%dma_wait3A_137 : memref<10000x128xf32, #tpu.memory_space<hbm>>) dst(%arg10 : memref<128x128xf32, #tpu.memory_space<vmem>>)
          %sub3A_138 = arith.constant 1 : i32
          %sub3A_139 = arith.subi %add3A_86, %sub3A_138 : i32
          %dma_start3A_140 = arith.constant 0 : i32
          %dma_start3A_141 = tpu.memref_slice %arg8[%sub3A_139, %dma_start3A_140] : memref<40x128xi32, #tpu.memory_space<vmem>> -> memref<1x128xi32, #tpu.memory_space<vmem>>
          %dma_start3A_142 = tpu.memref_squeeze %dma_start3A_141 : memref<1x128xi32, #tpu.memory_space<vmem>> -> memref<128xi32, #tpu.memory_space<vmem>>
          %dma_start3A_143 = arith.constant 0 : i32
          %dma_start3A_144 = arith.constant 0 : i32
          %dma_start3A_145 = tpu.memref_slice %arg11[%dma_start3A_143, %dma_start3A_144] : memref<10112x128xf32, #tpu.memory_space<vmem_shared>> -> memref<10112x128xf32, #tpu.memory_space<vmem_shared>>
          tpu.enqueue_indirect_dma source(%arg10 : memref<128x128xf32, #tpu.memory_space<vmem>>) target(%dma_start3A_145 : memref<10112x128xf32, #tpu.memory_space<vmem_shared>>) offsets(%dma_start3A_142 : memref<128xi32, #tpu.memory_space<vmem>>) semaphore(%arg15 : memref<!tpu.dma_semaphore, #tpu.memory_space<semaphore_mem>>) {add = true}
        } else {
        }
        %mul3A_102 = arith.constant 2 : i32
        %mul3A_103 = arith.muli %scan3A_82, %mul3A_102 : i32
        %add3A_104 = arith.constant 1 : i32
        %add3A_105 = arith.addi %mul3A_103, %add3A_104 : i32
        %gt3A_106 = arith.constant 0 : i32
        %gt3A_107 = arith.cmpi sgt, %scan3A_82, %gt3A_106 : i32
        %convert_element_type3A_108 = arith.extui %gt3A_107 : i1 to i32
        %cond3A_109 = arith.constant 0 : i32
        %cond3A_110 = arith.cmpi ne, %convert_element_type3A_108, %cond3A_109 : i32
        scf.if %cond3A_110 {
          %dma_wait3A_131 = arith.constant 0 : i32
          %dma_wait3A_132 = arith.constant 0 : i32
          %dma_wait3A_133 = tpu.memref_slice %arg8[%dma_wait3A_131, %dma_wait3A_132] : memref<40x128xi32, #tpu.memory_space<vmem>> -> memref<1x128xi32, #tpu.memory_space<vmem>>
          %dma_wait3A_134 = tpu.memref_squeeze %dma_wait3A_133 : memref<1x128xi32, #tpu.memory_space<vmem>> -> memref<128xi32, #tpu.memory_space<vmem>>
          %dma_wait3A_135 = arith.constant 0 : i32
          %dma_wait3A_136 = arith.constant 0 : i32
          %dma_wait3A_137 = tpu.memref_slice %arg11[%dma_wait3A_135, %dma_wait3A_136] : memref<10112x128xf32, #tpu.memory_space<vmem_shared>> -> memref<10112x128xf32, #tpu.memory_space<vmem_shared>>
          tpu.wait_indirect_dma semaphore(%arg15 : memref<!tpu.dma_semaphore, #tpu.memory_space<semaphore_mem>>) src(%arg10 : memref<128x128xf32, #tpu.memory_space<vmem>>) dst(%dma_wait3A_137 : memref<10112x128xf32, #tpu.memory_space<vmem_shared>>)
        } else {
        }
        %dma_start3A_111 = arith.constant 0 : i32
        %dma_start3A_112 = tpu.memref_slice %arg7[%add3A_105, %dma_start3A_111] : memref<40x128xi32, #tpu.memory_space<vmem>> -> memref<1x128xi32, #tpu.memory_space<vmem>>
        %dma_start3A_113 = tpu.memref_squeeze %dma_start3A_112 : memref<1x128xi32, #tpu.memory_space<vmem>> -> memref<128xi32, #tpu.memory_space<vmem>>
        %dma_start3A_114 = arith.constant 0 : i32
        %dma_start3A_115 = arith.constant 0 : i32
        %dma_start3A_116 = tpu.memref_slice %arg2[%dma_start3A_114, %dma_start3A_115] : memref<10000x128xf32, #tpu.memory_space<hbm>> -> memref<10000x128xf32, #tpu.memory_space<hbm>>
        tpu.enqueue_indirect_dma source(%dma_start3A_116 : memref<10000x128xf32, #tpu.memory_space<hbm>>) target(%arg10 : memref<128x128xf32, #tpu.memory_space<vmem>>) offsets(%dma_start3A_113 : memref<128xi32, #tpu.memory_space<vmem>>) semaphore(%arg13 : memref<!tpu.dma_semaphore, #tpu.memory_space<semaphore_mem>>)
        %dma_wait3A_117 = arith.constant 0 : i32
        %dma_wait3A_118 = arith.constant 0 : i32
        %dma_wait3A_119 = tpu.memref_slice %arg7[%dma_wait3A_117, %dma_wait3A_118] : memref<40x128xi32, #tpu.memory_space<vmem>> -> memref<1x128xi32, #tpu.memory_space<vmem>>
        %dma_wait3A_120 = tpu.memref_squeeze %dma_wait3A_119 : memref<1x128xi32, #tpu.memory_space<vmem>> -> memref<128xi32, #tpu.memory_space<vmem>>
        %dma_wait3A_121 = arith.constant 0 : i32
        %dma_wait3A_122 = arith.constant 0 : i32
        %dma_wait3A_123 = tpu.memref_slice %arg2[%dma_wait3A_121, %dma_wait3A_122] : memref<10000x128xf32, #tpu.memory_space<hbm>> -> memref<10000x128xf32, #tpu.memory_space<hbm>>
        tpu.wait_indirect_dma semaphore(%arg12 : memref<!tpu.dma_semaphore, #tpu.memory_space<semaphore_mem>>) src(%dma_wait3A_123 : memref<10000x128xf32, #tpu.memory_space<hbm>>) dst(%arg9 : memref<128x128xf32, #tpu.memory_space<vmem>>)
        %sub3A = arith.constant 1 : i32
        %sub3A_124 = arith.subi %add3A_105, %sub3A : i32
        %dma_start3A_125 = arith.constant 0 : i32
        %dma_start3A_126 = tpu.memref_slice %arg8[%sub3A_124, %dma_start3A_125] : memref<40x128xi32, #tpu.memory_space<vmem>> -> memref<1x128xi32, #tpu.memory_space<vmem>>
        %dma_start3A_127 = tpu.memref_squeeze %dma_start3A_126 : memref<1x128xi32, #tpu.memory_space<vmem>> -> memref<128xi32, #tpu.memory_space<vmem>>
        %dma_start3A_128 = arith.constant 0 : i32
        %dma_start3A_129 = arith.constant 0 : i32
        %dma_start3A_130 = tpu.memref_slice %arg11[%dma_start3A_128, %dma_start3A_129] : memref<10112x128xf32, #tpu.memory_space<vmem_shared>> -> memref<10112x128xf32, #tpu.memory_space<vmem_shared>>
        tpu.enqueue_indirect_dma source(%arg9 : memref<128x128xf32, #tpu.memory_space<vmem>>) target(%dma_start3A_130 : memref<10112x128xf32, #tpu.memory_space<vmem_shared>>) offsets(%dma_start3A_127 : memref<128xi32, #tpu.memory_space<vmem>>) semaphore(%arg14 : memref<!tpu.dma_semaphore, #tpu.memory_space<semaphore_mem>>) {add = true}
      }
      %scan3A_48 = arith.constant 20 : i32
      %dma_wait3A_49 = arith.constant 0 : i32
      %dma_wait3A_50 = arith.constant 0 : i32
      %dma_wait3A_51 = tpu.memref_slice %arg7[%dma_wait3A_49, %dma_wait3A_50] : memref<40x128xi32, #tpu.memory_space<vmem>> -> memref<1x128xi32, #tpu.memory_space<vmem>>
      %dma_wait3A_52 = tpu.memref_squeeze %dma_wait3A_51 : memref<1x128xi32, #tpu.memory_space<vmem>> -> memref<128xi32, #tpu.memory_space<vmem>>
      %dma_wait3A_53 = arith.constant 0 : i32
      %dma_wait3A_54 = arith.constant 0 : i32
      %dma_wait3A_55 = tpu.memref_slice %arg2[%dma_wait3A_53, %dma_wait3A_54] : memref<10000x128xf32, #tpu.memory_space<hbm>> -> memref<10000x128xf32, #tpu.memory_space<hbm>>
      tpu.wait_indirect_dma semaphore(%arg13 : memref<!tpu.dma_semaphore, #tpu.memory_space<semaphore_mem>>) src(%dma_wait3A_55 : memref<10000x128xf32, #tpu.memory_space<hbm>>) dst(%arg10 : memref<128x128xf32, #tpu.memory_space<vmem>>)
      %dma_start3A_56 = arith.constant 39 : i32
      %dma_start3A_57 = arith.constant 0 : i32
      %dma_start3A_58 = tpu.memref_slice %arg8[%dma_start3A_56, %dma_start3A_57] : memref<40x128xi32, #tpu.memory_space<vmem>> -> memref<1x128xi32, #tpu.memory_space<vmem>>
      %dma_start3A_59 = tpu.memref_squeeze %dma_start3A_58 : memref<1x128xi32, #tpu.memory_space<vmem>> -> memref<128xi32, #tpu.memory_space<vmem>>
      %dma_start3A_60 = arith.constant 0 : i32
      %dma_start3A_61 = arith.constant 0 : i32
      %dma_start3A_62 = tpu.memref_slice %arg11[%dma_start3A_60, %dma_start3A_61] : memref<10112x128xf32, #tpu.memory_space<vmem_shared>> -> memref<10112x128xf32, #tpu.memory_space<vmem_shared>>
      tpu.enqueue_indirect_dma source(%arg10 : memref<128x128xf32, #tpu.memory_space<vmem>>) target(%dma_start3A_62 : memref<10112x128xf32, #tpu.memory_space<vmem_shared>>) offsets(%dma_start3A_59 : memref<128xi32, #tpu.memory_space<vmem>>) semaphore(%arg15 : memref<!tpu.dma_semaphore, #tpu.memory_space<semaphore_mem>>) {add = true}
      %dma_wait3A_63 = arith.constant 0 : i32
      %dma_wait3A_64 = arith.constant 0 : i32
      %dma_wait3A_65 = tpu.memref_slice %arg8[%dma_wait3A_63, %dma_wait3A_64] : memref<40x128xi32, #tpu.memory_space<vmem>> -> memref<1x128xi32, #tpu.memory_space<vmem>>
      %dma_wait3A_66 = tpu.memref_squeeze %dma_wait3A_65 : memref<1x128xi32, #tpu.memory_space<vmem>> -> memref<128xi32, #tpu.memory_space<vmem>>
      %dma_wait3A_67 = arith.constant 0 : i32
      %dma_wait3A_68 = arith.constant 0 : i32
      %dma_wait3A_69 = tpu.memref_slice %arg11[%dma_wait3A_67, %dma_wait3A_68] : memref<10112x128xf32, #tpu.memory_space<vmem_shared>> -> memref<10112x128xf32, #tpu.memory_space<vmem_shared>>
      tpu.wait_indirect_dma semaphore(%arg14 : memref<!tpu.dma_semaphore, #tpu.memory_space<semaphore_mem>>) src(%arg9 : memref<128x128xf32, #tpu.memory_space<vmem>>) dst(%dma_wait3A_69 : memref<10112x128xf32, #tpu.memory_space<vmem_shared>>)
      %dma_wait3A_70 = arith.constant 0 : i32
      %dma_wait3A_71 = arith.constant 0 : i32
      %dma_wait3A_72 = tpu.memref_slice %arg8[%dma_wait3A_70, %dma_wait3A_71] : memref<40x128xi32, #tpu.memory_space<vmem>> -> memref<1x128xi32, #tpu.memory_space<vmem>>
      %dma_wait3A_73 = tpu.memref_squeeze %dma_wait3A_72 : memref<1x128xi32, #tpu.memory_space<vmem>> -> memref<128xi32, #tpu.memory_space<vmem>>
      %dma_wait3A_74 = arith.constant 0 : i32
      %dma_wait3A_75 = arith.constant 0 : i32
      %dma_wait3A_76 = tpu.memref_slice %arg11[%dma_wait3A_74, %dma_wait3A_75] : memref<10112x128xf32, #tpu.memory_space<vmem_shared>> -> memref<10112x128xf32, #tpu.memory_space<vmem_shared>>
      tpu.wait_indirect_dma semaphore(%arg15 : memref<!tpu.dma_semaphore, #tpu.memory_space<semaphore_mem>>) src(%arg10 : memref<128x128xf32, #tpu.memory_space<vmem>>) dst(%dma_wait3A_76 : memref<10112x128xf32, #tpu.memory_space<vmem_shared>>)
      %barrier3A_77 = arith.constant 0 : index
      tpu.barrier barrier_id(%barrier3A_77)
      %mul3A_78 = arith.constant 632 : i32
      %mul3A_79 = arith.muli %arg1, %mul3A_78 : i32
      %mul3A_80 = arith.constant 632 : i32
      %mul3A_81 = arith.muli %arg1, %mul3A_80 : i32
      "tpu.region"() ({
        %run_scoped3A = tpu.sem_alloc : memref<!tpu.dma_semaphore, #tpu.memory_space<semaphore_mem>>
        %dma_start3A_82 = arith.constant 0 : i32
        %dma_start3A_83 = tpu.memref_slice %arg6[%mul3A_81, %dma_start3A_82] : memref<10112x128xf32, #tpu.memory_space<hbm>> -> memref<632x128xf32, #tpu.memory_space<hbm>>
        %dma_start3A_84 = arith.constant 0 : i32
        %dma_start3A_85 = tpu.memref_slice %arg11[%mul3A_79, %dma_start3A_84] : memref<10112x128xf32, #tpu.memory_space<vmem_shared>> -> memref<632x128xf32, #tpu.memory_space<vmem_shared>>
        tpu.enqueue_dma source(%dma_start3A_85 : memref<632x128xf32, #tpu.memory_space<vmem_shared>>) target(%dma_start3A_83 : memref<632x128xf32, #tpu.memory_space<hbm>>) target_semaphore(%run_scoped3A : memref<!tpu.dma_semaphore, #tpu.memory_space<semaphore_mem>>)
        %dma_wait3A_86 = arith.constant 0 : i32
        %dma_wait3A_87 = tpu.memref_slice %arg6[%mul3A_81, %dma_wait3A_86] : memref<10112x128xf32, #tpu.memory_space<hbm>> -> memref<632x128xf32, #tpu.memory_space<hbm>>
        %dma_wait3A_88 = arith.constant 0 : i32
        %dma_wait3A_89 = tpu.memref_slice %arg11[%mul3A_79, %dma_wait3A_88] : memref<10112x128xf32, #tpu.memory_space<vmem_shared>> -> memref<632x128xf32, #tpu.memory_space<vmem_shared>>
        tpu.wait_dma2 semaphore(%run_scoped3A : memref<!tpu.dma_semaphore, #tpu.memory_space<semaphore_mem>>) src(%dma_wait3A_89 : memref<632x128xf32, #tpu.memory_space<vmem_shared>>) dst(%dma_wait3A_87 : memref<632x128xf32, #tpu.memory_space<hbm>>)
        tpu.yield
      }) : () -> ()
    } else {
    }
    return
  }
}

#map = affine_map<(d0, d1) -> (0, 0)>
module attributes {stable_mosaic.version = 14 : i64} {
  func.func @_scatter_kernel(%arg0: i32, %arg1: i32, %arg2: memref<10000x128xf32, #tpu.memory_space<hbm>>, %arg3: memref<1280x128xi32, #tpu.memory_space<hbm>>, %arg4: memref<1280x128xi32, #tpu.memory_space<hbm>>, %arg5: memref<10112x128xf32, #tpu.memory_space<hbm>>, %arg6: memref<10112x128xf32, #tpu.memory_space<hbm>>, %arg7: memref<40x128xi32, #tpu.memory_space<vmem>>, %arg8: memref<40x128xi32, #tpu.memory_space<vmem>>, %arg9: memref<128x128xf32, #tpu.memory_space<vmem>>, %arg10: memref<128x128xf32, #tpu.memory_space<vmem>>, %arg11: memref<10112x128xf32, #tpu.memory_space<vmem_shared>>, %arg12: memref<!tpu.dma_semaphore, #tpu.memory_space<semaphore_mem>>, %arg13: memref<!tpu.dma_semaphore, #tpu.memory_space<semaphore_mem>>, %arg14: memref<!tpu.dma_semaphore, #tpu.memory_space<semaphore_mem>>, %arg15: memref<!tpu.dma_semaphore, #tpu.memory_space<semaphore_mem>>) attributes {dimension_semantics = [#tpu.dimension_semantics<core_parallel>, #tpu.dimension_semantics<subcore_parallel>], iteration_bounds = array<i64: 2, 16>, scalar_prefetch = 0 : i64, scratch_operands = 9 : i64, tpu.core_type = #tpu.core_type<sc_vector_subcore>, window_params = [{transform_indices = #map}, {transform_indices = #map}, {transform_indices = #map}, {transform_indices = #map}, {transform_indices = #map}]} {
    %eq3A = arith.constant 0 : i32
    %eq3A_0 = arith.cmpi eq, %arg0, %eq3A : i32
    %convert_element_type3A = arith.extui %eq3A_0 : i1 to i32
    %cond3A = arith.constant 0 : i32
    %cond3A_1 = arith.cmpi ne, %convert_element_type3A, %cond3A : i32
    scf.if %cond3A_1 {
      %mul3A = arith.constant 632 : i32
      %mul3A_2 = arith.muli %arg1, %mul3A : i32
      %mul3A_3 = arith.constant 632 : i32
      %mul3A_4 = arith.muli %arg1, %mul3A_3 : i32
      "tpu.region"() ({
        %run_scoped3A = tpu.sem_alloc : memref<!tpu.dma_semaphore, #tpu.memory_space<semaphore_mem>>
        %dma_start3A_82 = arith.constant 0 : i32
        %dma_start3A_83 = tpu.memref_slice %arg11[%mul3A_4, %dma_start3A_82] : memref<10112x128xf32, #tpu.memory_space<vmem_shared>> -> memref<632x128xf32, #tpu.memory_space<vmem_shared>>
        %dma_start3A_84 = arith.constant 0 : i32
        %dma_start3A_85 = tpu.memref_slice %arg5[%mul3A_2, %dma_start3A_84] : memref<10112x128xf32, #tpu.memory_space<hbm>> -> memref<632x128xf32, #tpu.memory_space<hbm>>
        tpu.enqueue_dma source(%dma_start3A_85 : memref<632x128xf32, #tpu.memory_space<hbm>>) target(%dma_start3A_83 : memref<632x128xf32, #tpu.memory_space<vmem_shared>>) target_semaphore(%run_scoped3A : memref<!tpu.dma_semaphore, #tpu.memory_space<semaphore_mem>>)
        %dma_wait3A_86 = arith.constant 0 : i32
        %dma_wait3A_87 = tpu.memref_slice %arg11[%mul3A_4, %dma_wait3A_86] : memref<10112x128xf32, #tpu.memory_space<vmem_shared>> -> memref<632x128xf32, #tpu.memory_space<vmem_shared>>
        %dma_wait3A_88 = arith.constant 0 : i32
        %dma_wait3A_89 = tpu.memref_slice %arg5[%mul3A_2, %dma_wait3A_88] : memref<10112x128xf32, #tpu.memory_space<hbm>> -> memref<632x128xf32, #tpu.memory_space<hbm>>
        tpu.wait_dma2 semaphore(%run_scoped3A : memref<!tpu.dma_semaphore, #tpu.memory_space<semaphore_mem>>) src(%dma_wait3A_89 : memref<632x128xf32, #tpu.memory_space<hbm>>) dst(%dma_wait3A_87 : memref<632x128xf32, #tpu.memory_space<vmem_shared>>)
        tpu.yield
      }) : () -> ()
      %barrier3A = arith.constant 0 : index
      tpu.barrier barrier_id(%barrier3A)
      %mul3A_5 = arith.constant 80 : i32
      %mul3A_6 = arith.muli %arg1, %mul3A_5 : i32
      %add3A = arith.constant 0 : i32
      %add3A_7 = arith.addi %mul3A_6, %add3A : i32
      "tpu.region"() ({
        %run_scoped3A = tpu.sem_alloc : memref<!tpu.dma_semaphore, #tpu.memory_space<semaphore_mem>>
        %dma_start3A_82 = arith.constant 0 : i32
        %dma_start3A_83 = tpu.memref_slice %arg3[%add3A_7, %dma_start3A_82] : memref<1280x128xi32, #tpu.memory_space<hbm>> -> memref<40x128xi32, #tpu.memory_space<hbm>>
        %dma_start3A_84 = arith.constant 0 : i32
        %dma_start3A_85 = tpu.memref_slice %arg3[%add3A_7, %dma_start3A_84] : memref<1280x128xi32, #tpu.memory_space<hbm>> -> memref<40x128xi32, #tpu.memory_space<hbm>>
        tpu.enqueue_dma source(%dma_start3A_85 : memref<40x128xi32, #tpu.memory_space<hbm>>) target(%arg7 : memref<40x128xi32, #tpu.memory_space<vmem>>) target_semaphore(%run_scoped3A : memref<!tpu.dma_semaphore, #tpu.memory_space<semaphore_mem>>)
        %dma_wait3A_86 = arith.constant 0 : i32
        %dma_wait3A_87 = tpu.memref_slice %arg3[%add3A_7, %dma_wait3A_86] : memref<1280x128xi32, #tpu.memory_space<hbm>> -> memref<40x128xi32, #tpu.memory_space<hbm>>
        %dma_wait3A_88 = arith.constant 0 : i32
        %dma_wait3A_89 = tpu.memref_slice %arg3[%add3A_7, %dma_wait3A_88] : memref<1280x128xi32, #tpu.memory_space<hbm>> -> memref<40x128xi32, #tpu.memory_space<hbm>>
        tpu.wait_dma2 semaphore(%run_scoped3A : memref<!tpu.dma_semaphore, #tpu.memory_space<semaphore_mem>>) src(%dma_wait3A_89 : memref<40x128xi32, #tpu.memory_space<hbm>>) dst(%arg7 : memref<40x128xi32, #tpu.memory_space<vmem>>)
        tpu.yield
      }) : () -> ()
      "tpu.region"() ({
        %run_scoped3A = tpu.sem_alloc : memref<!tpu.dma_semaphore, #tpu.memory_space<semaphore_mem>>
        %dma_start3A_82 = arith.constant 0 : i32
        %dma_start3A_83 = tpu.memref_slice %arg4[%add3A_7, %dma_start3A_82] : memref<1280x128xi32, #tpu.memory_space<hbm>> -> memref<40x128xi32, #tpu.memory_space<hbm>>
        %dma_start3A_84 = arith.constant 0 : i32
        %dma_start3A_85 = tpu.memref_slice %arg4[%add3A_7, %dma_start3A_84] : memref<1280x128xi32, #tpu.memory_space<hbm>> -> memref<40x128xi32, #tpu.memory_space<hbm>>
        tpu.enqueue_dma source(%dma_start3A_85 : memref<40x128xi32, #tpu.memory_space<hbm>>) target(%arg8 : memref<40x128xi32, #tpu.memory_space<vmem>>) target_semaphore(%run_scoped3A : memref<!tpu.dma_semaphore, #tpu.memory_space<semaphore_mem>>)
        %dma_wait3A_86 = arith.constant 0 : i32
        %dma_wait3A_87 = tpu.memref_slice %arg4[%add3A_7, %dma_wait3A_86] : memref<1280x128xi32, #tpu.memory_space<hbm>> -> memref<40x128xi32, #tpu.memory_space<hbm>>
        %dma_wait3A_88 = arith.constant 0 : i32
        %dma_wait3A_89 = tpu.memref_slice %arg4[%add3A_7, %dma_wait3A_88] : memref<1280x128xi32, #tpu.memory_space<hbm>> -> memref<40x128xi32, #tpu.memory_space<hbm>>
        tpu.wait_dma2 semaphore(%run_scoped3A : memref<!tpu.dma_semaphore, #tpu.memory_space<semaphore_mem>>) src(%dma_wait3A_89 : memref<40x128xi32, #tpu.memory_space<hbm>>) dst(%arg8 : memref<40x128xi32, #tpu.memory_space<vmem>>)
        tpu.yield
      }) : () -> ()
      %scan3A = arith.constant 0 : i32
      %scan3A_8 = arith.constant 0 : i32
      %scan3A_9 = arith.constant 20 : i32
      %scan3A_10 = arith.addi %scan3A_8, %scan3A_9 : i32
      %scan3A_11 = arith.constant 1 : i32
      scf.for %scan3A_82 = %scan3A_8 to %scan3A_10 step %scan3A_11  : i32 {
        %mul3A_83 = arith.constant 2 : i32
        %mul3A_84 = arith.muli %scan3A_82, %mul3A_83 : i32
        %add3A_85 = arith.constant 0 : i32
        %add3A_86 = arith.addi %mul3A_84, %add3A_85 : i32
        %gt3A = arith.constant 0 : i32
        %gt3A_87 = arith.cmpi sgt, %scan3A_82, %gt3A : i32
        %convert_element_type3A_88 = arith.extui %gt3A_87 : i1 to i32
        %cond3A_89 = arith.constant 0 : i32
        %cond3A_90 = arith.cmpi ne, %convert_element_type3A_88, %cond3A_89 : i32
        scf.if %cond3A_90 {
          %dma_wait3A_131 = arith.constant 0 : i32
          %dma_wait3A_132 = arith.constant 0 : i32
          %dma_wait3A_133 = tpu.memref_slice %arg8[%dma_wait3A_131, %dma_wait3A_132] : memref<40x128xi32, #tpu.memory_space<vmem>> -> memref<1x128xi32, #tpu.memory_space<vmem>>
          %dma_wait3A_134 = tpu.memref_squeeze %dma_wait3A_133 : memref<1x128xi32, #tpu.memory_space<vmem>> -> memref<128xi32, #tpu.memory_space<vmem>>
          %dma_wait3A_135 = arith.constant 0 : i32
          %dma_wait3A_136 = arith.constant 0 : i32
          %dma_wait3A_137 = tpu.memref_slice %arg11[%dma_wait3A_135, %dma_wait3A_136] : memref<10112x128xf32, #tpu.memory_space<vmem_shared>> -> memref<10112x128xf32, #tpu.memory_space<vmem_shared>>
          tpu.wait_indirect_dma semaphore(%arg14 : memref<!tpu.dma_semaphore, #tpu.memory_space<semaphore_mem>>) src(%arg9 : memref<128x128xf32, #tpu.memory_space<vmem>>) dst(%dma_wait3A_137 : memref<10112x128xf32, #tpu.memory_space<vmem_shared>>)
        } else {
        }
        %dma_start3A_91 = arith.constant 0 : i32
        %dma_start3A_92 = tpu.memref_slice %arg7[%add3A_86, %dma_start3A_91] : memref<40x128xi32, #tpu.memory_space<vmem>> -> memref<1x128xi32, #tpu.memory_space<vmem>>
        %dma_start3A_93 = tpu.memref_squeeze %dma_start3A_92 : memref<1x128xi32, #tpu.memory_space<vmem>> -> memref<128xi32, #tpu.memory_space<vmem>>
        %dma_start3A_94 = arith.constant 0 : i32
        %dma_start3A_95 = arith.constant 0 : i32
        %dma_start3A_96 = tpu.memref_slice %arg2[%dma_start3A_94, %dma_start3A_95] : memref<10000x128xf32, #tpu.memory_space<hbm>> -> memref<10000x128xf32, #tpu.memory_space<hbm>>
        tpu.enqueue_indirect_dma source(%dma_start3A_96 : memref<10000x128xf32, #tpu.memory_space<hbm>>) target(%arg9 : memref<128x128xf32, #tpu.memory_space<vmem>>) offsets(%dma_start3A_93 : memref<128xi32, #tpu.memory_space<vmem>>) semaphore(%arg12 : memref<!tpu.dma_semaphore, #tpu.memory_space<semaphore_mem>>)
        %gt3A_97 = arith.constant 0 : i32
        %gt3A_98 = arith.cmpi sgt, %scan3A_82, %gt3A_97 : i32
        %convert_element_type3A_99 = arith.extui %gt3A_98 : i1 to i32
        %cond3A_100 = arith.constant 0 : i32
        %cond3A_101 = arith.cmpi ne, %convert_element_type3A_99, %cond3A_100 : i32
        scf.if %cond3A_101 {
          %dma_wait3A_131 = arith.constant 0 : i32
          %dma_wait3A_132 = arith.constant 0 : i32
          %dma_wait3A_133 = tpu.memref_slice %arg7[%dma_wait3A_131, %dma_wait3A_132] : memref<40x128xi32, #tpu.memory_space<vmem>> -> memref<1x128xi32, #tpu.memory_space<vmem>>
          %dma_wait3A_134 = tpu.memref_squeeze %dma_wait3A_133 : memref<1x128xi32, #tpu.memory_space<vmem>> -> memref<128xi32, #tpu.memory_space<vmem>>
          %dma_wait3A_135 = arith.constant 0 : i32
          %dma_wait3A_136 = arith.constant 0 : i32
          %dma_wait3A_137 = tpu.memref_slice %arg2[%dma_wait3A_135, %dma_wait3A_136] : memref<10000x128xf32, #tpu.memory_space<hbm>> -> memref<10000x128xf32, #tpu.memory_space<hbm>>
          tpu.wait_indirect_dma semaphore(%arg13 : memref<!tpu.dma_semaphore, #tpu.memory_space<semaphore_mem>>) src(%dma_wait3A_137 : memref<10000x128xf32, #tpu.memory_space<hbm>>) dst(%arg10 : memref<128x128xf32, #tpu.memory_space<vmem>>)
          %sub3A_138 = arith.constant 1 : i32
          %sub3A_139 = arith.subi %add3A_86, %sub3A_138 : i32
          %dma_start3A_140 = arith.constant 0 : i32
          %dma_start3A_141 = tpu.memref_slice %arg8[%sub3A_139, %dma_start3A_140] : memref<40x128xi32, #tpu.memory_space<vmem>> -> memref<1x128xi32, #tpu.memory_space<vmem>>
          %dma_start3A_142 = tpu.memref_squeeze %dma_start3A_141 : memref<1x128xi32, #tpu.memory_space<vmem>> -> memref<128xi32, #tpu.memory_space<vmem>>
          %dma_start3A_143 = arith.constant 0 : i32
          %dma_start3A_144 = arith.constant 0 : i32
          %dma_start3A_145 = tpu.memref_slice %arg11[%dma_start3A_143, %dma_start3A_144] : memref<10112x128xf32, #tpu.memory_space<vmem_shared>> -> memref<10112x128xf32, #tpu.memory_space<vmem_shared>>
          tpu.enqueue_indirect_dma source(%arg10 : memref<128x128xf32, #tpu.memory_space<vmem>>) target(%dma_start3A_145 : memref<10112x128xf32, #tpu.memory_space<vmem_shared>>) offsets(%dma_start3A_142 : memref<128xi32, #tpu.memory_space<vmem>>) semaphore(%arg15 : memref<!tpu.dma_semaphore, #tpu.memory_space<semaphore_mem>>) {add = true}
        } else {
        }
        %mul3A_102 = arith.constant 2 : i32
        %mul3A_103 = arith.muli %scan3A_82, %mul3A_102 : i32
        %add3A_104 = arith.constant 1 : i32
        %add3A_105 = arith.addi %mul3A_103, %add3A_104 : i32
        %gt3A_106 = arith.constant 0 : i32
        %gt3A_107 = arith.cmpi sgt, %scan3A_82, %gt3A_106 : i32
        %convert_element_type3A_108 = arith.extui %gt3A_107 : i1 to i32
        %cond3A_109 = arith.constant 0 : i32
        %cond3A_110 = arith.cmpi ne, %convert_element_type3A_108, %cond3A_109 : i32
        scf.if %cond3A_110 {
          %dma_wait3A_131 = arith.constant 0 : i32
          %dma_wait3A_132 = arith.constant 0 : i32
          %dma_wait3A_133 = tpu.memref_slice %arg8[%dma_wait3A_131, %dma_wait3A_132] : memref<40x128xi32, #tpu.memory_space<vmem>> -> memref<1x128xi32, #tpu.memory_space<vmem>>
          %dma_wait3A_134 = tpu.memref_squeeze %dma_wait3A_133 : memref<1x128xi32, #tpu.memory_space<vmem>> -> memref<128xi32, #tpu.memory_space<vmem>>
          %dma_wait3A_135 = arith.constant 0 : i32
          %dma_wait3A_136 = arith.constant 0 : i32
          %dma_wait3A_137 = tpu.memref_slice %arg11[%dma_wait3A_135, %dma_wait3A_136] : memref<10112x128xf32, #tpu.memory_space<vmem_shared>> -> memref<10112x128xf32, #tpu.memory_space<vmem_shared>>
          tpu.wait_indirect_dma semaphore(%arg15 : memref<!tpu.dma_semaphore, #tpu.memory_space<semaphore_mem>>) src(%arg10 : memref<128x128xf32, #tpu.memory_space<vmem>>) dst(%dma_wait3A_137 : memref<10112x128xf32, #tpu.memory_space<vmem_shared>>)
        } else {
        }
        %dma_start3A_111 = arith.constant 0 : i32
        %dma_start3A_112 = tpu.memref_slice %arg7[%add3A_105, %dma_start3A_111] : memref<40x128xi32, #tpu.memory_space<vmem>> -> memref<1x128xi32, #tpu.memory_space<vmem>>
        %dma_start3A_113 = tpu.memref_squeeze %dma_start3A_112 : memref<1x128xi32, #tpu.memory_space<vmem>> -> memref<128xi32, #tpu.memory_space<vmem>>
        %dma_start3A_114 = arith.constant 0 : i32
        %dma_start3A_115 = arith.constant 0 : i32
        %dma_start3A_116 = tpu.memref_slice %arg2[%dma_start3A_114, %dma_start3A_115] : memref<10000x128xf32, #tpu.memory_space<hbm>> -> memref<10000x128xf32, #tpu.memory_space<hbm>>
        tpu.enqueue_indirect_dma source(%dma_start3A_116 : memref<10000x128xf32, #tpu.memory_space<hbm>>) target(%arg10 : memref<128x128xf32, #tpu.memory_space<vmem>>) offsets(%dma_start3A_113 : memref<128xi32, #tpu.memory_space<vmem>>) semaphore(%arg13 : memref<!tpu.dma_semaphore, #tpu.memory_space<semaphore_mem>>)
        %dma_wait3A_117 = arith.constant 0 : i32
        %dma_wait3A_118 = arith.constant 0 : i32
        %dma_wait3A_119 = tpu.memref_slice %arg7[%dma_wait3A_117, %dma_wait3A_118] : memref<40x128xi32, #tpu.memory_space<vmem>> -> memref<1x128xi32, #tpu.memory_space<vmem>>
        %dma_wait3A_120 = tpu.memref_squeeze %dma_wait3A_119 : memref<1x128xi32, #tpu.memory_space<vmem>> -> memref<128xi32, #tpu.memory_space<vmem>>
        %dma_wait3A_121 = arith.constant 0 : i32
        %dma_wait3A_122 = arith.constant 0 : i32
        %dma_wait3A_123 = tpu.memref_slice %arg2[%dma_wait3A_121, %dma_wait3A_122] : memref<10000x128xf32, #tpu.memory_space<hbm>> -> memref<10000x128xf32, #tpu.memory_space<hbm>>
        tpu.wait_indirect_dma semaphore(%arg12 : memref<!tpu.dma_semaphore, #tpu.memory_space<semaphore_mem>>) src(%dma_wait3A_123 : memref<10000x128xf32, #tpu.memory_space<hbm>>) dst(%arg9 : memref<128x128xf32, #tpu.memory_space<vmem>>)
        %sub3A = arith.constant 1 : i32
        %sub3A_124 = arith.subi %add3A_105, %sub3A : i32
        %dma_start3A_125 = arith.constant 0 : i32
        %dma_start3A_126 = tpu.memref_slice %arg8[%sub3A_124, %dma_start3A_125] : memref<40x128xi32, #tpu.memory_space<vmem>> -> memref<1x128xi32, #tpu.memory_space<vmem>>
        %dma_start3A_127 = tpu.memref_squeeze %dma_start3A_126 : memref<1x128xi32, #tpu.memory_space<vmem>> -> memref<128xi32, #tpu.memory_space<vmem>>
        %dma_start3A_128 = arith.constant 0 : i32
        %dma_start3A_129 = arith.constant 0 : i32
        %dma_start3A_130 = tpu.memref_slice %arg11[%dma_start3A_128, %dma_start3A_129] : memref<10112x128xf32, #tpu.memory_space<vmem_shared>> -> memref<10112x128xf32, #tpu.memory_space<vmem_shared>>
        tpu.enqueue_indirect_dma source(%arg9 : memref<128x128xf32, #tpu.memory_space<vmem>>) target(%dma_start3A_130 : memref<10112x128xf32, #tpu.memory_space<vmem_shared>>) offsets(%dma_start3A_127 : memref<128xi32, #tpu.memory_space<vmem>>) semaphore(%arg14 : memref<!tpu.dma_semaphore, #tpu.memory_space<semaphore_mem>>) {add = true}
      }
      %scan3A_12 = arith.constant 20 : i32
      %dma_wait3A = arith.constant 0 : i32
      %dma_wait3A_13 = arith.constant 0 : i32
      %dma_wait3A_14 = tpu.memref_slice %arg7[%dma_wait3A, %dma_wait3A_13] : memref<40x128xi32, #tpu.memory_space<vmem>> -> memref<1x128xi32, #tpu.memory_space<vmem>>
      %dma_wait3A_15 = tpu.memref_squeeze %dma_wait3A_14 : memref<1x128xi32, #tpu.memory_space<vmem>> -> memref<128xi32, #tpu.memory_space<vmem>>
      %dma_wait3A_16 = arith.constant 0 : i32
      %dma_wait3A_17 = arith.constant 0 : i32
      %dma_wait3A_18 = tpu.memref_slice %arg2[%dma_wait3A_16, %dma_wait3A_17] : memref<10000x128xf32, #tpu.memory_space<hbm>> -> memref<10000x128xf32, #tpu.memory_space<hbm>>
      tpu.wait_indirect_dma semaphore(%arg13 : memref<!tpu.dma_semaphore, #tpu.memory_space<semaphore_mem>>) src(%dma_wait3A_18 : memref<10000x128xf32, #tpu.memory_space<hbm>>) dst(%arg10 : memref<128x128xf32, #tpu.memory_space<vmem>>)
      %dma_start3A = arith.constant 39 : i32
      %dma_start3A_19 = arith.constant 0 : i32
      %dma_start3A_20 = tpu.memref_slice %arg8[%dma_start3A, %dma_start3A_19] : memref<40x128xi32, #tpu.memory_space<vmem>> -> memref<1x128xi32, #tpu.memory_space<vmem>>
      %dma_start3A_21 = tpu.memref_squeeze %dma_start3A_20 : memref<1x128xi32, #tpu.memory_space<vmem>> -> memref<128xi32, #tpu.memory_space<vmem>>
      %dma_start3A_22 = arith.constant 0 : i32
      %dma_start3A_23 = arith.constant 0 : i32
      %dma_start3A_24 = tpu.memref_slice %arg11[%dma_start3A_22, %dma_start3A_23] : memref<10112x128xf32, #tpu.memory_space<vmem_shared>> -> memref<10112x128xf32, #tpu.memory_space<vmem_shared>>
      tpu.enqueue_indirect_dma source(%arg10 : memref<128x128xf32, #tpu.memory_space<vmem>>) target(%dma_start3A_24 : memref<10112x128xf32, #tpu.memory_space<vmem_shared>>) offsets(%dma_start3A_21 : memref<128xi32, #tpu.memory_space<vmem>>) semaphore(%arg15 : memref<!tpu.dma_semaphore, #tpu.memory_space<semaphore_mem>>) {add = true}
      %dma_wait3A_25 = arith.constant 0 : i32
      %dma_wait3A_26 = arith.constant 0 : i32
      %dma_wait3A_27 = tpu.memref_slice %arg8[%dma_wait3A_25, %dma_wait3A_26] : memref<40x128xi32, #tpu.memory_space<vmem>> -> memref<1x128xi32, #tpu.memory_space<vmem>>
      %dma_wait3A_28 = tpu.memref_squeeze %dma_wait3A_27 : memref<1x128xi32, #tpu.memory_space<vmem>> -> memref<128xi32, #tpu.memory_space<vmem>>
      %dma_wait3A_29 = arith.constant 0 : i32
      %dma_wait3A_30 = arith.constant 0 : i32
      %dma_wait3A_31 = tpu.memref_slice %arg11[%dma_wait3A_29, %dma_wait3A_30] : memref<10112x128xf32, #tpu.memory_space<vmem_shared>> -> memref<10112x128xf32, #tpu.memory_space<vmem_shared>>
      tpu.wait_indirect_dma semaphore(%arg14 : memref<!tpu.dma_semaphore, #tpu.memory_space<semaphore_mem>>) src(%arg9 : memref<128x128xf32, #tpu.memory_space<vmem>>) dst(%dma_wait3A_31 : memref<10112x128xf32, #tpu.memory_space<vmem_shared>>)
      %dma_wait3A_32 = arith.constant 0 : i32
      %dma_wait3A_33 = arith.constant 0 : i32
      %dma_wait3A_34 = tpu.memref_slice %arg8[%dma_wait3A_32, %dma_wait3A_33] : memref<40x128xi32, #tpu.memory_space<vmem>> -> memref<1x128xi32, #tpu.memory_space<vmem>>
      %dma_wait3A_35 = tpu.memref_squeeze %dma_wait3A_34 : memref<1x128xi32, #tpu.memory_space<vmem>> -> memref<128xi32, #tpu.memory_space<vmem>>
      %dma_wait3A_36 = arith.constant 0 : i32
      %dma_wait3A_37 = arith.constant 0 : i32
      %dma_wait3A_38 = tpu.memref_slice %arg11[%dma_wait3A_36, %dma_wait3A_37] : memref<10112x128xf32, #tpu.memory_space<vmem_shared>> -> memref<10112x128xf32, #tpu.memory_space<vmem_shared>>
      tpu.wait_indirect_dma semaphore(%arg15 : memref<!tpu.dma_semaphore, #tpu.memory_space<semaphore_mem>>) src(%arg10 : memref<128x128xf32, #tpu.memory_space<vmem>>) dst(%dma_wait3A_38 : memref<10112x128xf32, #tpu.memory_space<vmem_shared>>)
      %mul3A_39 = arith.constant 80 : i32
      %mul3A_40 = arith.muli %arg1, %mul3A_39 : i32
      %add3A_41 = arith.constant 40 : i32
      %add3A_42 = arith.addi %mul3A_40, %add3A_41 : i32
      "tpu.region"() ({
        %run_scoped3A = tpu.sem_alloc : memref<!tpu.dma_semaphore, #tpu.memory_space<semaphore_mem>>
        %dma_start3A_82 = arith.constant 0 : i32
        %dma_start3A_83 = tpu.memref_slice %arg3[%add3A_42, %dma_start3A_82] : memref<1280x128xi32, #tpu.memory_space<hbm>> -> memref<40x128xi32, #tpu.memory_space<hbm>>
        %dma_start3A_84 = arith.constant 0 : i32
        %dma_start3A_85 = tpu.memref_slice %arg3[%add3A_42, %dma_start3A_84] : memref<1280x128xi32, #tpu.memory_space<hbm>> -> memref<40x128xi32, #tpu.memory_space<hbm>>
        tpu.enqueue_dma source(%dma_start3A_85 : memref<40x128xi32, #tpu.memory_space<hbm>>) target(%arg7 : memref<40x128xi32, #tpu.memory_space<vmem>>) target_semaphore(%run_scoped3A : memref<!tpu.dma_semaphore, #tpu.memory_space<semaphore_mem>>)
        %dma_wait3A_86 = arith.constant 0 : i32
        %dma_wait3A_87 = tpu.memref_slice %arg3[%add3A_42, %dma_wait3A_86] : memref<1280x128xi32, #tpu.memory_space<hbm>> -> memref<40x128xi32, #tpu.memory_space<hbm>>
        %dma_wait3A_88 = arith.constant 0 : i32
        %dma_wait3A_89 = tpu.memref_slice %arg3[%add3A_42, %dma_wait3A_88] : memref<1280x128xi32, #tpu.memory_space<hbm>> -> memref<40x128xi32, #tpu.memory_space<hbm>>
        tpu.wait_dma2 semaphore(%run_scoped3A : memref<!tpu.dma_semaphore, #tpu.memory_space<semaphore_mem>>) src(%dma_wait3A_89 : memref<40x128xi32, #tpu.memory_space<hbm>>) dst(%arg7 : memref<40x128xi32, #tpu.memory_space<vmem>>)
        tpu.yield
      }) : () -> ()
      "tpu.region"() ({
        %run_scoped3A = tpu.sem_alloc : memref<!tpu.dma_semaphore, #tpu.memory_space<semaphore_mem>>
        %dma_start3A_82 = arith.constant 0 : i32
        %dma_start3A_83 = tpu.memref_slice %arg4[%add3A_42, %dma_start3A_82] : memref<1280x128xi32, #tpu.memory_space<hbm>> -> memref<40x128xi32, #tpu.memory_space<hbm>>
        %dma_start3A_84 = arith.constant 0 : i32
        %dma_start3A_85 = tpu.memref_slice %arg4[%add3A_42, %dma_start3A_84] : memref<1280x128xi32, #tpu.memory_space<hbm>> -> memref<40x128xi32, #tpu.memory_space<hbm>>
        tpu.enqueue_dma source(%dma_start3A_85 : memref<40x128xi32, #tpu.memory_space<hbm>>) target(%arg8 : memref<40x128xi32, #tpu.memory_space<vmem>>) target_semaphore(%run_scoped3A : memref<!tpu.dma_semaphore, #tpu.memory_space<semaphore_mem>>)
        %dma_wait3A_86 = arith.constant 0 : i32
        %dma_wait3A_87 = tpu.memref_slice %arg4[%add3A_42, %dma_wait3A_86] : memref<1280x128xi32, #tpu.memory_space<hbm>> -> memref<40x128xi32, #tpu.memory_space<hbm>>
        %dma_wait3A_88 = arith.constant 0 : i32
        %dma_wait3A_89 = tpu.memref_slice %arg4[%add3A_42, %dma_wait3A_88] : memref<1280x128xi32, #tpu.memory_space<hbm>> -> memref<40x128xi32, #tpu.memory_space<hbm>>
        tpu.wait_dma2 semaphore(%run_scoped3A : memref<!tpu.dma_semaphore, #tpu.memory_space<semaphore_mem>>) src(%dma_wait3A_89 : memref<40x128xi32, #tpu.memory_space<hbm>>) dst(%arg8 : memref<40x128xi32, #tpu.memory_space<vmem>>)
        tpu.yield
      }) : () -> ()
      %scan3A_43 = arith.constant 0 : i32
      %scan3A_44 = arith.constant 0 : i32
      %scan3A_45 = arith.constant 20 : i32
      %scan3A_46 = arith.addi %scan3A_44, %scan3A_45 : i32
      %scan3A_47 = arith.constant 1 : i32
      scf.for %scan3A_82 = %scan3A_44 to %scan3A_46 step %scan3A_47  : i32 {
        %mul3A_83 = arith.constant 2 : i32
        %mul3A_84 = arith.muli %scan3A_82, %mul3A_83 : i32
        %add3A_85 = arith.constant 0 : i32
        %add3A_86 = arith.addi %mul3A_84, %add3A_85 : i32
        %gt3A = arith.constant 0 : i32
        %gt3A_87 = arith.cmpi sgt, %scan3A_82, %gt3A : i32
        %convert_element_type3A_88 = arith.extui %gt3A_87 : i1 to i32
        %cond3A_89 = arith.constant 0 : i32
        %cond3A_90 = arith.cmpi ne, %convert_element_type3A_88, %cond3A_89 : i32
        scf.if %cond3A_90 {
          %dma_wait3A_131 = arith.constant 0 : i32
          %dma_wait3A_132 = arith.constant 0 : i32
          %dma_wait3A_133 = tpu.memref_slice %arg8[%dma_wait3A_131, %dma_wait3A_132] : memref<40x128xi32, #tpu.memory_space<vmem>> -> memref<1x128xi32, #tpu.memory_space<vmem>>
          %dma_wait3A_134 = tpu.memref_squeeze %dma_wait3A_133 : memref<1x128xi32, #tpu.memory_space<vmem>> -> memref<128xi32, #tpu.memory_space<vmem>>
          %dma_wait3A_135 = arith.constant 0 : i32
          %dma_wait3A_136 = arith.constant 0 : i32
          %dma_wait3A_137 = tpu.memref_slice %arg11[%dma_wait3A_135, %dma_wait3A_136] : memref<10112x128xf32, #tpu.memory_space<vmem_shared>> -> memref<10112x128xf32, #tpu.memory_space<vmem_shared>>
          tpu.wait_indirect_dma semaphore(%arg14 : memref<!tpu.dma_semaphore, #tpu.memory_space<semaphore_mem>>) src(%arg9 : memref<128x128xf32, #tpu.memory_space<vmem>>) dst(%dma_wait3A_137 : memref<10112x128xf32, #tpu.memory_space<vmem_shared>>)
        } else {
        }
        %dma_start3A_91 = arith.constant 0 : i32
        %dma_start3A_92 = tpu.memref_slice %arg7[%add3A_86, %dma_start3A_91] : memref<40x128xi32, #tpu.memory_space<vmem>> -> memref<1x128xi32, #tpu.memory_space<vmem>>
        %dma_start3A_93 = tpu.memref_squeeze %dma_start3A_92 : memref<1x128xi32, #tpu.memory_space<vmem>> -> memref<128xi32, #tpu.memory_space<vmem>>
        %dma_start3A_94 = arith.constant 0 : i32
        %dma_start3A_95 = arith.constant 0 : i32
        %dma_start3A_96 = tpu.memref_slice %arg2[%dma_start3A_94, %dma_start3A_95] : memref<10000x128xf32, #tpu.memory_space<hbm>> -> memref<10000x128xf32, #tpu.memory_space<hbm>>
        tpu.enqueue_indirect_dma source(%dma_start3A_96 : memref<10000x128xf32, #tpu.memory_space<hbm>>) target(%arg9 : memref<128x128xf32, #tpu.memory_space<vmem>>) offsets(%dma_start3A_93 : memref<128xi32, #tpu.memory_space<vmem>>) semaphore(%arg12 : memref<!tpu.dma_semaphore, #tpu.memory_space<semaphore_mem>>)
        %gt3A_97 = arith.constant 0 : i32
        %gt3A_98 = arith.cmpi sgt, %scan3A_82, %gt3A_97 : i32
        %convert_element_type3A_99 = arith.extui %gt3A_98 : i1 to i32
        %cond3A_100 = arith.constant 0 : i32
        %cond3A_101 = arith.cmpi ne, %convert_element_type3A_99, %cond3A_100 : i32
        scf.if %cond3A_101 {
          %dma_wait3A_131 = arith.constant 0 : i32
          %dma_wait3A_132 = arith.constant 0 : i32
          %dma_wait3A_133 = tpu.memref_slice %arg7[%dma_wait3A_131, %dma_wait3A_132] : memref<40x128xi32, #tpu.memory_space<vmem>> -> memref<1x128xi32, #tpu.memory_space<vmem>>
          %dma_wait3A_134 = tpu.memref_squeeze %dma_wait3A_133 : memref<1x128xi32, #tpu.memory_space<vmem>> -> memref<128xi32, #tpu.memory_space<vmem>>
          %dma_wait3A_135 = arith.constant 0 : i32
          %dma_wait3A_136 = arith.constant 0 : i32
          %dma_wait3A_137 = tpu.memref_slice %arg2[%dma_wait3A_135, %dma_wait3A_136] : memref<10000x128xf32, #tpu.memory_space<hbm>> -> memref<10000x128xf32, #tpu.memory_space<hbm>>
          tpu.wait_indirect_dma semaphore(%arg13 : memref<!tpu.dma_semaphore, #tpu.memory_space<semaphore_mem>>) src(%dma_wait3A_137 : memref<10000x128xf32, #tpu.memory_space<hbm>>) dst(%arg10 : memref<128x128xf32, #tpu.memory_space<vmem>>)
          %sub3A_138 = arith.constant 1 : i32
          %sub3A_139 = arith.subi %add3A_86, %sub3A_138 : i32
          %dma_start3A_140 = arith.constant 0 : i32
          %dma_start3A_141 = tpu.memref_slice %arg8[%sub3A_139, %dma_start3A_140] : memref<40x128xi32, #tpu.memory_space<vmem>> -> memref<1x128xi32, #tpu.memory_space<vmem>>
          %dma_start3A_142 = tpu.memref_squeeze %dma_start3A_141 : memref<1x128xi32, #tpu.memory_space<vmem>> -> memref<128xi32, #tpu.memory_space<vmem>>
          %dma_start3A_143 = arith.constant 0 : i32
          %dma_start3A_144 = arith.constant 0 : i32
          %dma_start3A_145 = tpu.memref_slice %arg11[%dma_start3A_143, %dma_start3A_144] : memref<10112x128xf32, #tpu.memory_space<vmem_shared>> -> memref<10112x128xf32, #tpu.memory_space<vmem_shared>>
          tpu.enqueue_indirect_dma source(%arg10 : memref<128x128xf32, #tpu.memory_space<vmem>>) target(%dma_start3A_145 : memref<10112x128xf32, #tpu.memory_space<vmem_shared>>) offsets(%dma_start3A_142 : memref<128xi32, #tpu.memory_space<vmem>>) semaphore(%arg15 : memref<!tpu.dma_semaphore, #tpu.memory_space<semaphore_mem>>) {add = true}
        } else {
        }
        %mul3A_102 = arith.constant 2 : i32
        %mul3A_103 = arith.muli %scan3A_82, %mul3A_102 : i32
        %add3A_104 = arith.constant 1 : i32
        %add3A_105 = arith.addi %mul3A_103, %add3A_104 : i32
        %gt3A_106 = arith.constant 0 : i32
        %gt3A_107 = arith.cmpi sgt, %scan3A_82, %gt3A_106 : i32
        %convert_element_type3A_108 = arith.extui %gt3A_107 : i1 to i32
        %cond3A_109 = arith.constant 0 : i32
        %cond3A_110 = arith.cmpi ne, %convert_element_type3A_108, %cond3A_109 : i32
        scf.if %cond3A_110 {
          %dma_wait3A_131 = arith.constant 0 : i32
          %dma_wait3A_132 = arith.constant 0 : i32
          %dma_wait3A_133 = tpu.memref_slice %arg8[%dma_wait3A_131, %dma_wait3A_132] : memref<40x128xi32, #tpu.memory_space<vmem>> -> memref<1x128xi32, #tpu.memory_space<vmem>>
          %dma_wait3A_134 = tpu.memref_squeeze %dma_wait3A_133 : memref<1x128xi32, #tpu.memory_space<vmem>> -> memref<128xi32, #tpu.memory_space<vmem>>
          %dma_wait3A_135 = arith.constant 0 : i32
          %dma_wait3A_136 = arith.constant 0 : i32
          %dma_wait3A_137 = tpu.memref_slice %arg11[%dma_wait3A_135, %dma_wait3A_136] : memref<10112x128xf32, #tpu.memory_space<vmem_shared>> -> memref<10112x128xf32, #tpu.memory_space<vmem_shared>>
          tpu.wait_indirect_dma semaphore(%arg15 : memref<!tpu.dma_semaphore, #tpu.memory_space<semaphore_mem>>) src(%arg10 : memref<128x128xf32, #tpu.memory_space<vmem>>) dst(%dma_wait3A_137 : memref<10112x128xf32, #tpu.memory_space<vmem_shared>>)
        } else {
        }
        %dma_start3A_111 = arith.constant 0 : i32
        %dma_start3A_112 = tpu.memref_slice %arg7[%add3A_105, %dma_start3A_111] : memref<40x128xi32, #tpu.memory_space<vmem>> -> memref<1x128xi32, #tpu.memory_space<vmem>>
        %dma_start3A_113 = tpu.memref_squeeze %dma_start3A_112 : memref<1x128xi32, #tpu.memory_space<vmem>> -> memref<128xi32, #tpu.memory_space<vmem>>
        %dma_start3A_114 = arith.constant 0 : i32
        %dma_start3A_115 = arith.constant 0 : i32
        %dma_start3A_116 = tpu.memref_slice %arg2[%dma_start3A_114, %dma_start3A_115] : memref<10000x128xf32, #tpu.memory_space<hbm>> -> memref<10000x128xf32, #tpu.memory_space<hbm>>
        tpu.enqueue_indirect_dma source(%dma_start3A_116 : memref<10000x128xf32, #tpu.memory_space<hbm>>) target(%arg10 : memref<128x128xf32, #tpu.memory_space<vmem>>) offsets(%dma_start3A_113 : memref<128xi32, #tpu.memory_space<vmem>>) semaphore(%arg13 : memref<!tpu.dma_semaphore, #tpu.memory_space<semaphore_mem>>)
        %dma_wait3A_117 = arith.constant 0 : i32
        %dma_wait3A_118 = arith.constant 0 : i32
        %dma_wait3A_119 = tpu.memref_slice %arg7[%dma_wait3A_117, %dma_wait3A_118] : memref<40x128xi32, #tpu.memory_space<vmem>> -> memref<1x128xi32, #tpu.memory_space<vmem>>
        %dma_wait3A_120 = tpu.memref_squeeze %dma_wait3A_119 : memref<1x128xi32, #tpu.memory_space<vmem>> -> memref<128xi32, #tpu.memory_space<vmem>>
        %dma_wait3A_121 = arith.constant 0 : i32
        %dma_wait3A_122 = arith.constant 0 : i32
        %dma_wait3A_123 = tpu.memref_slice %arg2[%dma_wait3A_121, %dma_wait3A_122] : memref<10000x128xf32, #tpu.memory_space<hbm>> -> memref<10000x128xf32, #tpu.memory_space<hbm>>
        tpu.wait_indirect_dma semaphore(%arg12 : memref<!tpu.dma_semaphore, #tpu.memory_space<semaphore_mem>>) src(%dma_wait3A_123 : memref<10000x128xf32, #tpu.memory_space<hbm>>) dst(%arg9 : memref<128x128xf32, #tpu.memory_space<vmem>>)
        %sub3A = arith.constant 1 : i32
        %sub3A_124 = arith.subi %add3A_105, %sub3A : i32
        %dma_start3A_125 = arith.constant 0 : i32
        %dma_start3A_126 = tpu.memref_slice %arg8[%sub3A_124, %dma_start3A_125] : memref<40x128xi32, #tpu.memory_space<vmem>> -> memref<1x128xi32, #tpu.memory_space<vmem>>
        %dma_start3A_127 = tpu.memref_squeeze %dma_start3A_126 : memref<1x128xi32, #tpu.memory_space<vmem>> -> memref<128xi32, #tpu.memory_space<vmem>>
        %dma_start3A_128 = arith.constant 0 : i32
        %dma_start3A_129 = arith.constant 0 : i32
        %dma_start3A_130 = tpu.memref_slice %arg11[%dma_start3A_128, %dma_start3A_129] : memref<10112x128xf32, #tpu.memory_space<vmem_shared>> -> memref<10112x128xf32, #tpu.memory_space<vmem_shared>>
        tpu.enqueue_indirect_dma source(%arg9 : memref<128x128xf32, #tpu.memory_space<vmem>>) target(%dma_start3A_130 : memref<10112x128xf32, #tpu.memory_space<vmem_shared>>) offsets(%dma_start3A_127 : memref<128xi32, #tpu.memory_space<vmem>>) semaphore(%arg14 : memref<!tpu.dma_semaphore, #tpu.memory_space<semaphore_mem>>) {add = true}
      }
      %scan3A_48 = arith.constant 20 : i32
      %dma_wait3A_49 = arith.constant 0 : i32
      %dma_wait3A_50 = arith.constant 0 : i32
      %dma_wait3A_51 = tpu.memref_slice %arg7[%dma_wait3A_49, %dma_wait3A_50] : memref<40x128xi32, #tpu.memory_space<vmem>> -> memref<1x128xi32, #tpu.memory_space<vmem>>
      %dma_wait3A_52 = tpu.memref_squeeze %dma_wait3A_51 : memref<1x128xi32, #tpu.memory_space<vmem>> -> memref<128xi32, #tpu.memory_space<vmem>>
      %dma_wait3A_53 = arith.constant 0 : i32
      %dma_wait3A_54 = arith.constant 0 : i32
      %dma_wait3A_55 = tpu.memref_slice %arg2[%dma_wait3A_53, %dma_wait3A_54] : memref<10000x128xf32, #tpu.memory_space<hbm>> -> memref<10000x128xf32, #tpu.memory_space<hbm>>
      tpu.wait_indirect_dma semaphore(%arg13 : memref<!tpu.dma_semaphore, #tpu.memory_space<semaphore_mem>>) src(%dma_wait3A_55 : memref<10000x128xf32, #tpu.memory_space<hbm>>) dst(%arg10 : memref<128x128xf32, #tpu.memory_space<vmem>>)
      %dma_start3A_56 = arith.constant 39 : i32
      %dma_start3A_57 = arith.constant 0 : i32
      %dma_start3A_58 = tpu.memref_slice %arg8[%dma_start3A_56, %dma_start3A_57] : memref<40x128xi32, #tpu.memory_space<vmem>> -> memref<1x128xi32, #tpu.memory_space<vmem>>
      %dma_start3A_59 = tpu.memref_squeeze %dma_start3A_58 : memref<1x128xi32, #tpu.memory_space<vmem>> -> memref<128xi32, #tpu.memory_space<vmem>>
      %dma_start3A_60 = arith.constant 0 : i32
      %dma_start3A_61 = arith.constant 0 : i32
      %dma_start3A_62 = tpu.memref_slice %arg11[%dma_start3A_60, %dma_start3A_61] : memref<10112x128xf32, #tpu.memory_space<vmem_shared>> -> memref<10112x128xf32, #tpu.memory_space<vmem_shared>>
      tpu.enqueue_indirect_dma source(%arg10 : memref<128x128xf32, #tpu.memory_space<vmem>>) target(%dma_start3A_62 : memref<10112x128xf32, #tpu.memory_space<vmem_shared>>) offsets(%dma_start3A_59 : memref<128xi32, #tpu.memory_space<vmem>>) semaphore(%arg15 : memref<!tpu.dma_semaphore, #tpu.memory_space<semaphore_mem>>) {add = true}
      %dma_wait3A_63 = arith.constant 0 : i32
      %dma_wait3A_64 = arith.constant 0 : i32
      %dma_wait3A_65 = tpu.memref_slice %arg8[%dma_wait3A_63, %dma_wait3A_64] : memref<40x128xi32, #tpu.memory_space<vmem>> -> memref<1x128xi32, #tpu.memory_space<vmem>>
      %dma_wait3A_66 = tpu.memref_squeeze %dma_wait3A_65 : memref<1x128xi32, #tpu.memory_space<vmem>> -> memref<128xi32, #tpu.memory_space<vmem>>
      %dma_wait3A_67 = arith.constant 0 : i32
      %dma_wait3A_68 = arith.constant 0 : i32
      %dma_wait3A_69 = tpu.memref_slice %arg11[%dma_wait3A_67, %dma_wait3A_68] : memref<10112x128xf32, #tpu.memory_space<vmem_shared>> -> memref<10112x128xf32, #tpu.memory_space<vmem_shared>>
      tpu.wait_indirect_dma semaphore(%arg14 : memref<!tpu.dma_semaphore, #tpu.memory_space<semaphore_mem>>) src(%arg9 : memref<128x128xf32, #tpu.memory_space<vmem>>) dst(%dma_wait3A_69 : memref<10112x128xf32, #tpu.memory_space<vmem_shared>>)
      %dma_wait3A_70 = arith.constant 0 : i32
      %dma_wait3A_71 = arith.constant 0 : i32
      %dma_wait3A_72 = tpu.memref_slice %arg8[%dma_wait3A_70, %dma_wait3A_71] : memref<40x128xi32, #tpu.memory_space<vmem>> -> memref<1x128xi32, #tpu.memory_space<vmem>>
      %dma_wait3A_73 = tpu.memref_squeeze %dma_wait3A_72 : memref<1x128xi32, #tpu.memory_space<vmem>> -> memref<128xi32, #tpu.memory_space<vmem>>
      %dma_wait3A_74 = arith.constant 0 : i32
      %dma_wait3A_75 = arith.constant 0 : i32
      %dma_wait3A_76 = tpu.memref_slice %arg11[%dma_wait3A_74, %dma_wait3A_75] : memref<10112x128xf32, #tpu.memory_space<vmem_shared>> -> memref<10112x128xf32, #tpu.memory_space<vmem_shared>>
      tpu.wait_indirect_dma semaphore(%arg15 : memref<!tpu.dma_semaphore, #tpu.memory_space<semaphore_mem>>) src(%arg10 : memref<128x128xf32, #tpu.memory_space<vmem>>) dst(%dma_wait3A_76 : memref<10112x128xf32, #tpu.memory_space<vmem_shared>>)
      %barrier3A_77 = arith.constant 0 : index
      tpu.barrier barrier_id(%barrier3A_77)
      %mul3A_78 = arith.constant 632 : i32
      %mul3A_79 = arith.muli %arg1, %mul3A_78 : i32
      %mul3A_80 = arith.constant 632 : i32
      %mul3A_81 = arith.muli %arg1, %mul3A_80 : i32
      "tpu.region"() ({
        %run_scoped3A = tpu.sem_alloc : memref<!tpu.dma_semaphore, #tpu.memory_space<semaphore_mem>>
        %dma_start3A_82 = arith.constant 0 : i32
        %dma_start3A_83 = tpu.memref_slice %arg6[%mul3A_81, %dma_start3A_82] : memref<10112x128xf32, #tpu.memory_space<hbm>> -> memref<632x128xf32, #tpu.memory_space<hbm>>
        %dma_start3A_84 = arith.constant 0 : i32
        %dma_start3A_85 = tpu.memref_slice %arg11[%mul3A_79, %dma_start3A_84] : memref<10112x128xf32, #tpu.memory_space<vmem_shared>> -> memref<632x128xf32, #tpu.memory_space<vmem_shared>>
        tpu.enqueue_dma source(%dma_start3A_85 : memref<632x128xf32, #tpu.memory_space<vmem_shared>>) target(%dma_start3A_83 : memref<632x128xf32, #tpu.memory_space<hbm>>) target_semaphore(%run_scoped3A : memref<!tpu.dma_semaphore, #tpu.memory_space<semaphore_mem>>)
        %dma_wait3A_86 = arith.constant 0 : i32
        %dma_wait3A_87 = tpu.memref_slice %arg6[%mul3A_81, %dma_wait3A_86] : memref<10112x128xf32, #tpu.memory_space<hbm>> -> memref<632x128xf32, #tpu.memory_space<hbm>>
        %dma_wait3A_88 = arith.constant 0 : i32
        %dma_wait3A_89 = tpu.memref_slice %arg11[%mul3A_79, %dma_wait3A_88] : memref<10112x128xf32, #tpu.memory_space<vmem_shared>> -> memref<632x128xf32, #tpu.memory_space<vmem_shared>>
        tpu.wait_dma2 semaphore(%run_scoped3A : memref<!tpu.dma_semaphore, #tpu.memory_space<semaphore_mem>>) src(%dma_wait3A_89 : memref<632x128xf32, #tpu.memory_space<vmem_shared>>) dst(%dma_wait3A_87 : memref<632x128xf32, #tpu.memory_space<hbm>>)
        tpu.yield
      }) : () -> ()
    } else {
    }
    return
  }
}

module attributes {stable_mosaic.version = 14 : i64} {
  func.func @_mm1_body(%arg0: i32, %arg1: memref<1000x256xf32, #tpu.memory_space<vmem>>, %arg2: memref<256x128xf32, #tpu.memory_space<vmem>>, %arg3: memref<1000x128xf32, #tpu.memory_space<vmem>>) attributes {dimension_semantics = [#tpu.dimension_semantics<arbitrary>], iteration_bounds = array<i64: 10>, scalar_prefetch = 0 : i64, scratch_operands = 0 : i64, tpu.core_type = #tpu.core_type<tc>, window_params = [{transform_indices = @transform_0, window_bounds = array<i64: 1000, 256>}, {pipeline_mode = #tpu.pipeline_mode<synchronous>, transform_indices = @transform_1, window_bounds = array<i64: 256, 128>}, {transform_indices = @transform_2, window_bounds = array<i64: 1000, 128>}]} {
    %get3A = arith.constant 0 : index
    %get3A_0 = arith.constant 0 : index
    %get3A_1 = vector.load %arg1[%get3A, %get3A_0] : memref<1000x256xf32, #tpu.memory_space<vmem>>, vector<1000x256xf32>
    %get3A_2 = arith.constant 0 : index
    %get3A_3 = arith.constant 0 : index
    %get3A_4 = vector.load %arg2[%get3A_2, %get3A_3] : memref<256x128xf32, #tpu.memory_space<vmem>>, vector<256x128xf32>
    %dot_general3A = arith.constant dense<0.000000e+00> : vector<1000x128xf32>
    %dot_general3A_5 = tpu.matmul %get3A_1, %get3A_4, %dot_general3A {dimension_numbers = #tpu.dot_dimension_numbers<[1], [0], [0], [1], [0, 0, 1, 1], [], []>, transpose_lhs_hint = false} : vector<1000x256xf32>, vector<256x128xf32>, vector<1000x128xf32> -> vector<1000x128xf32>
    %swap3A = arith.constant 0 : index
    %swap3A_6 = arith.constant 0 : index
    %swap3A_7 = vector.load %arg3[%swap3A, %swap3A_6] : memref<1000x128xf32, #tpu.memory_space<vmem>>, vector<1000x128xf32>
    tpu.vector_store %arg3[%swap3A, %swap3A_6], %dot_general3A_5 {strides = array<i32>} : memref<1000x128xf32, #tpu.memory_space<vmem>>, vector<1000x128xf32>,
    return
  }
  func.func @transform_0(%arg0: i32) -> (i32, i32) {
    %c0_i32 = arith.constant 0 : i32
    %c0_i32_0 = arith.constant 0 : i32
    return %arg0, %c0_i32 : i32, i32
  }
  func.func @transform_1(%arg0: i32) -> (i32, i32) {
    %c0_i32 = arith.constant 0 : i32
    %c0_i32_0 = arith.constant 0 : i32
    %c0_i32_1 = arith.constant 0 : i32
    return %c0_i32, %c0_i32_0 : i32, i32
  }
  func.func @transform_2(%arg0: i32) -> (i32, i32) {
    %c0_i32 = arith.constant 0 : i32
    %c0_i32_0 = arith.constant 0 : i32
    return %arg0, %c0_i32 : i32, i32
  }
}

module attributes {stable_mosaic.version = 14 : i64} {
  func.func @_scale_body(%arg0: i32, %arg1: memref<1000x1xf32, #tpu.memory_space<vmem>>, %arg2: memref<1000x1xf32, #tpu.memory_space<vmem>>, %arg3: memref<1000x128xf32, #tpu.memory_space<vmem>>, %arg4: memref<1000x128xf32, #tpu.memory_space<vmem>>) attributes {dimension_semantics = [#tpu.dimension_semantics<arbitrary>], iteration_bounds = array<i64: 10>, scalar_prefetch = 0 : i64, scratch_operands = 0 : i64, tpu.core_type = #tpu.core_type<tc>, window_params = [{transform_indices = @transform_0, window_bounds = array<i64: 1000, 1>}, {transform_indices = @transform_1, window_bounds = array<i64: 1000, 1>}, {transform_indices = @transform_2, window_bounds = array<i64: 1000, 128>}, {transform_indices = @transform_3, window_bounds = array<i64: 1000, 128>}]} {
    %get3A = arith.constant 0 : index
    %get3A_0 = arith.constant 0 : index
    %get3A_1 = vector.load %arg3[%get3A, %get3A_0] : memref<1000x128xf32, #tpu.memory_space<vmem>>, vector<1000x128xf32>
    %get3A_2 = arith.constant 0 : index
    %get3A_3 = arith.constant 0 : index
    %get3A_4 = vector.load %arg1[%get3A_2, %get3A_3] : memref<1000x1xf32, #tpu.memory_space<vmem>>, vector<1000x1xf32>
    %get3A_5 = arith.constant 0 : index
    %get3A_6 = arith.constant 0 : index
    %get3A_7 = vector.load %arg2[%get3A_5, %get3A_6] : memref<1000x1xf32, #tpu.memory_space<vmem>>, vector<1000x1xf32>
    %add3A = arith.addf %get3A_4, %get3A_7 : vector<1000x1xf32>
    %add3A_8 = arith.constant 1.000000e+00 : f32
    %add3A_9 = vector.broadcast %add3A_8 : f32 to vector<1000x1xf32>
    %add3A_10 = arith.addf %add3A, %add3A_9 : vector<1000x1xf32>
    %rsqrt3A = math.rsqrt %add3A_10 : vector<1000x1xf32>
    %mul3A = vector.broadcast %rsqrt3A : vector<1000x1xf32> to vector<1000x128xf32>
    %mul3A_11 = arith.mulf %get3A_1, %mul3A : vector<1000x128xf32>
    %swap3A = arith.constant 0 : index
    %swap3A_12 = arith.constant 0 : index
    %swap3A_13 = vector.load %arg4[%swap3A, %swap3A_12] : memref<1000x128xf32, #tpu.memory_space<vmem>>, vector<1000x128xf32>
    tpu.vector_store %arg4[%swap3A, %swap3A_12], %mul3A_11 {strides = array<i32>} : memref<1000x128xf32, #tpu.memory_space<vmem>>, vector<1000x128xf32>,
    return
  }
  func.func @transform_0(%arg0: i32) -> (i32, i32) {
    %c0_i32 = arith.constant 0 : i32
    %c0_i32_0 = arith.constant 0 : i32
    return %arg0, %c0_i32 : i32, i32
  }
  func.func @transform_1(%arg0: i32) -> (i32, i32) {
    %c0_i32 = arith.constant 0 : i32
    %c0_i32_0 = arith.constant 0 : i32
    return %arg0, %c0_i32 : i32, i32
  }
  func.func @transform_2(%arg0: i32) -> (i32, i32) {
    %c0_i32 = arith.constant 0 : i32
    %c0_i32_0 = arith.constant 0 : i32
    return %arg0, %c0_i32 : i32, i32
  }
  func.func @transform_3(%arg0: i32) -> (i32, i32) {
    %c0_i32 = arith.constant 0 : i32
    %c0_i32_0 = arith.constant 0 : i32
    return %arg0, %c0_i32 : i32, i32
  }
}

module attributes {stable_mosaic.version = 14 : i64} {
  func.func @_mid_body(%arg0: i32, %arg1: memref<1000x128xf32, #tpu.memory_space<vmem>>, %arg2: memref<1000x1xf32, #tpu.memory_space<vmem>>, %arg3: memref<1000x1xf32, #tpu.memory_space<vmem>>, %arg4: memref<1000x128xf32, #tpu.memory_space<vmem>>, %arg5: memref<1x128xf32, #tpu.memory_space<vmem>>, %arg6: memref<128x128xf32, #tpu.memory_space<vmem>>, %arg7: memref<1000x128xf32, #tpu.memory_space<vmem>>) attributes {dimension_semantics = [#tpu.dimension_semantics<arbitrary>], iteration_bounds = array<i64: 10>, scalar_prefetch = 0 : i64, scratch_operands = 0 : i64, tpu.core_type = #tpu.core_type<tc>, window_params = [{transform_indices = @transform_0, window_bounds = array<i64: 1000, 128>}, {transform_indices = @transform_1, window_bounds = array<i64: 1000, 1>}, {transform_indices = @transform_2, window_bounds = array<i64: 1000, 1>}, {transform_indices = @transform_3, window_bounds = array<i64: 1000, 128>}, {pipeline_mode = #tpu.pipeline_mode<synchronous>, transform_indices = @transform_4, window_bounds = array<i64: 1, 128>}, {pipeline_mode = #tpu.pipeline_mode<synchronous>, transform_indices = @transform_5, window_bounds = array<i64: 128, 128>}, {transform_indices = @transform_6, window_bounds = array<i64: 1000, 128>}]} {
    %get3A = arith.constant 0 : index
    %get3A_0 = arith.constant 0 : index
    %get3A_1 = vector.load %arg2[%get3A, %get3A_0] : memref<1000x1xf32, #tpu.memory_space<vmem>>, vector<1000x1xf32>
    %get3A_2 = arith.constant 0 : index
    %get3A_3 = arith.constant 0 : index
    %get3A_4 = vector.load %arg3[%get3A_2, %get3A_3] : memref<1000x1xf32, #tpu.memory_space<vmem>>, vector<1000x1xf32>
    %add3A = arith.addf %get3A_1, %get3A_4 : vector<1000x1xf32>
    %add3A_5 = arith.constant 1.000000e+00 : f32
    %add3A_6 = vector.broadcast %add3A_5 : f32 to vector<1000x1xf32>
    %add3A_7 = arith.addf %add3A, %add3A_6 : vector<1000x1xf32>
    %rsqrt3A = math.rsqrt %add3A_7 : vector<1000x1xf32>
    %get3A_8 = arith.constant 0 : index
    %get3A_9 = arith.constant 0 : index
    %get3A_10 = vector.load %arg1[%get3A_8, %get3A_9] : memref<1000x128xf32, #tpu.memory_space<vmem>>, vector<1000x128xf32>
    %get3A_11 = arith.constant 0 : index
    %get3A_12 = arith.constant 0 : index
    %get3A_13 = vector.load %arg4[%get3A_11, %get3A_12] : memref<1000x128xf32, #tpu.memory_space<vmem>>, vector<1000x128xf32>
    %add3A_14 = arith.addf %get3A_10, %get3A_13 : vector<1000x128xf32>
    %mul3A = vector.broadcast %rsqrt3A : vector<1000x1xf32> to vector<1000x128xf32>
    %mul3A_15 = arith.mulf %mul3A, %add3A_14 : vector<1000x128xf32>
    %get3A_16 = arith.constant 0 : index
    %get3A_17 = arith.constant 0 : index
    %get3A_18 = vector.load %arg5[%get3A_16, %get3A_17] : memref<1x128xf32, #tpu.memory_space<vmem>>, vector<1x128xf32>
    %add3A_19 = vector.broadcast %get3A_18 : vector<1x128xf32> to vector<1000x128xf32>
    %add3A_20 = arith.addf %mul3A_15, %add3A_19 : vector<1000x128xf32>
    %max3A = arith.constant 0.000000e+00 : f32
    %max3A_21 = vector.broadcast %max3A : f32 to vector<1000x128xf32>
    %max3A_22 = arith.maximumf %add3A_20, %max3A_21 : vector<1000x128xf32>
    %get3A_23 = arith.constant 0 : index
    %get3A_24 = arith.constant 0 : index
    %get3A_25 = vector.load %arg6[%get3A_23, %get3A_24] : memref<128x128xf32, #tpu.memory_space<vmem>>, vector<128x128xf32>
    %dot_general3A = arith.constant dense<0.000000e+00> : vector<1000x128xf32>
    %dot_general3A_26 = tpu.matmul %max3A_22, %get3A_25, %dot_general3A {dimension_numbers = #tpu.dot_dimension_numbers<[1], [0], [0], [1], [0, 0, 1, 1], [], []>, transpose_lhs_hint = false} : vector<1000x128xf32>, vector<128x128xf32>, vector<1000x128xf32> -> vector<1000x128xf32>
    %mul3A_27 = vector.broadcast %rsqrt3A : vector<1000x1xf32> to vector<1000x128xf32>
    %mul3A_28 = arith.mulf %mul3A_27, %dot_general3A_26 : vector<1000x128xf32>
    %swap3A = arith.constant 0 : index
    %swap3A_29 = arith.constant 0 : index
    %swap3A_30 = vector.load %arg7[%swap3A, %swap3A_29] : memref<1000x128xf32, #tpu.memory_space<vmem>>, vector<1000x128xf32>
    tpu.vector_store %arg7[%swap3A, %swap3A_29], %mul3A_28 {strides = array<i32>} : memref<1000x128xf32, #tpu.memory_space<vmem>>, vector<1000x128xf32>,
    return
  }
  func.func @transform_0(%arg0: i32) -> (i32, i32) {
    %c0_i32 = arith.constant 0 : i32
    %c0_i32_0 = arith.constant 0 : i32
    return %arg0, %c0_i32 : i32, i32
  }
  func.func @transform_1(%arg0: i32) -> (i32, i32) {
    %c0_i32 = arith.constant 0 : i32
    %c0_i32_0 = arith.constant 0 : i32
    return %arg0, %c0_i32 : i32, i32
  }
  func.func @transform_2(%arg0: i32) -> (i32, i32) {
    %c0_i32 = arith.constant 0 : i32
    %c0_i32_0 = arith.constant 0 : i32
    return %arg0, %c0_i32 : i32, i32
  }
  func.func @transform_3(%arg0: i32) -> (i32, i32) {
    %c0_i32 = arith.constant 0 : i32
    %c0_i32_0 = arith.constant 0 : i32
    return %arg0, %c0_i32 : i32, i32
  }
  func.func @transform_4(%arg0: i32) -> (i32, i32) {
    %c0_i32 = arith.constant 0 : i32
    %c0_i32_0 = arith.constant 0 : i32
    %c0_i32_1 = arith.constant 0 : i32
    return %c0_i32, %c0_i32_0 : i32, i32
  }
  func.func @transform_5(%arg0: i32) -> (i32, i32) {
    %c0_i32 = arith.constant 0 : i32
    %c0_i32_0 = arith.constant 0 : i32
    %c0_i32_1 = arith.constant 0 : i32
    return %c0_i32, %c0_i32_0 : i32, i32
  }
  func.func @transform_6(%arg0: i32) -> (i32, i32) {
    %c0_i32 = arith.constant 0 : i32
    %c0_i32_0 = arith.constant 0 : i32
    return %arg0, %c0_i32 : i32, i32
  }
}

module attributes {stable_mosaic.version = 14 : i64} {
  func.func @_fin_body(%arg0: i32, %arg1: memref<1000x128xf32, #tpu.memory_space<vmem>>, %arg2: memref<1000x1xf32, #tpu.memory_space<vmem>>, %arg3: memref<1000x1xf32, #tpu.memory_space<vmem>>, %arg4: memref<1000x128xf32, #tpu.memory_space<vmem>>, %arg5: memref<1x128xf32, #tpu.memory_space<vmem>>, %arg6: memref<1000x100xf32, #tpu.memory_space<vmem>>) attributes {dimension_semantics = [#tpu.dimension_semantics<arbitrary>], iteration_bounds = array<i64: 10>, scalar_prefetch = 0 : i64, scratch_operands = 0 : i64, tpu.core_type = #tpu.core_type<tc>, window_params = [{transform_indices = @transform_0, window_bounds = array<i64: 1000, 128>}, {transform_indices = @transform_1, window_bounds = array<i64: 1000, 1>}, {transform_indices = @transform_2, window_bounds = array<i64: 1000, 1>}, {transform_indices = @transform_3, window_bounds = array<i64: 1000, 128>}, {pipeline_mode = #tpu.pipeline_mode<synchronous>, transform_indices = @transform_4, window_bounds = array<i64: 1, 128>}, {transform_indices = @transform_5, window_bounds = array<i64: 1000, 100>}]} {
    %get3A = arith.constant 0 : index
    %get3A_0 = arith.constant 0 : index
    %get3A_1 = vector.load %arg2[%get3A, %get3A_0] : memref<1000x1xf32, #tpu.memory_space<vmem>>, vector<1000x1xf32>
    %get3A_2 = arith.constant 0 : index
    %get3A_3 = arith.constant 0 : index
    %get3A_4 = vector.load %arg3[%get3A_2, %get3A_3] : memref<1000x1xf32, #tpu.memory_space<vmem>>, vector<1000x1xf32>
    %add3A = arith.addf %get3A_1, %get3A_4 : vector<1000x1xf32>
    %add3A_5 = arith.constant 1.000000e+00 : f32
    %add3A_6 = vector.broadcast %add3A_5 : f32 to vector<1000x1xf32>
    %add3A_7 = arith.addf %add3A, %add3A_6 : vector<1000x1xf32>
    %rsqrt3A = math.rsqrt %add3A_7 : vector<1000x1xf32>
    %get3A_8 = arith.constant 0 : index
    %get3A_9 = arith.constant 0 : index
    %get3A_10 = vector.load %arg1[%get3A_8, %get3A_9] : memref<1000x128xf32, #tpu.memory_space<vmem>>, vector<1000x128xf32>
    %get3A_11 = arith.constant 0 : index
    %get3A_12 = arith.constant 0 : index
    %get3A_13 = vector.load %arg4[%get3A_11, %get3A_12] : memref<1000x128xf32, #tpu.memory_space<vmem>>, vector<1000x128xf32>
    %add3A_14 = arith.addf %get3A_10, %get3A_13 : vector<1000x128xf32>
    %mul3A = vector.broadcast %rsqrt3A : vector<1000x1xf32> to vector<1000x128xf32>
    %mul3A_15 = arith.mulf %mul3A, %add3A_14 : vector<1000x128xf32>
    %get3A_16 = arith.constant 0 : index
    %get3A_17 = arith.constant 0 : index
    %get3A_18 = vector.load %arg5[%get3A_16, %get3A_17] : memref<1x128xf32, #tpu.memory_space<vmem>>, vector<1x128xf32>
    %add3A_19 = vector.broadcast %get3A_18 : vector<1x128xf32> to vector<1000x128xf32>
    %add3A_20 = arith.addf %mul3A_15, %add3A_19 : vector<1000x128xf32>
    %max3A = arith.constant 0.000000e+00 : f32
    %max3A_21 = vector.broadcast %max3A : f32 to vector<1000x128xf32>
    %max3A_22 = arith.maximumf %add3A_20, %max3A_21 : vector<1000x128xf32>
    %iota3A = tpu.iota {dimensions = array<i32: 1>} : vector<1000x128xi32>
    %lt3A = arith.constant 100 : i32
    %lt3A_23 = vector.broadcast %lt3A : i32 to vector<1000x128xi32>
    %lt3A_24 = arith.cmpi slt, %iota3A, %lt3A_23 : vector<1000x128xi32>
    %jit3A = arith.constant 0xFF800000 : f32
    %broadcast_in_dim3A = vector.broadcast %jit3A : f32 to vector<1000x128xf32>
    %select_n3A = arith.select %lt3A_24, %max3A_22, %broadcast_in_dim3A : vector<1000x128xi1>, vector<1000x128xf32>
    %reduce_max3A = arith.constant dense<0xFF800000> : vector<1000xf32>
    %reduce_max3A_25 = vector.multi_reduction <maximumf>, %select_n3A, %reduce_max3A [1] : vector<1000x128xf32> to vector<1000xf32>
    %broadcast_in_dim3A_26 = vector.shape_cast %reduce_max3A_25 : vector<1000xf32> to vector<1000x1xf32>
    %sub3A = vector.broadcast %broadcast_in_dim3A_26 : vector<1000x1xf32> to vector<1000x128xf32>
    %sub3A_27 = arith.subf %max3A_22, %sub3A : vector<1000x128xf32>
    %exp3A = math.exp %sub3A_27 : vector<1000x128xf32>
    %jit3A_28 = arith.constant 0.000000e+00 : f32
    %broadcast_in_dim3A_29 = vector.broadcast %jit3A_28 : f32 to vector<1000x128xf32>
    %select_n3A_30 = arith.select %lt3A_24, %exp3A, %broadcast_in_dim3A_29 : vector<1000x128xi1>, vector<1000x128xf32>
    %reduce_sum3A = arith.constant dense<0.000000e+00> : vector<1000xf32>
    %reduce_sum3A_31 = vector.multi_reduction <add>, %select_n3A_30, %reduce_sum3A [1] : vector<1000x128xf32> to vector<1000xf32>
    %broadcast_in_dim3A_32 = vector.shape_cast %reduce_sum3A_31 : vector<1000xf32> to vector<1000x1xf32>
    %log3A = math.log %broadcast_in_dim3A_32 : vector<1000x1xf32>
    %add3A_33 = arith.addf %log3A, %broadcast_in_dim3A_26 : vector<1000x1xf32>
    %sub3A_34 = vector.broadcast %add3A_33 : vector<1000x1xf32> to vector<1000x128xf32>
    %sub3A_35 = arith.subf %max3A_22, %sub3A_34 : vector<1000x128xf32>
    %slice3A = vector.extract_strided_slice %sub3A_35 {offsets = [0, 0], sizes = [1000, 100], strides = [1, 1]} : vector<1000x128xf32> to vector<1000x100xf32>
    %swap3A = arith.constant 0 : index
    %swap3A_36 = arith.constant 0 : index
    %swap3A_37 = vector.load %arg6[%swap3A, %swap3A_36] : memref<1000x100xf32, #tpu.memory_space<vmem>>, vector<1000x100xf32>
    tpu.vector_store %arg6[%swap3A, %swap3A_36], %slice3A {strides = array<i32>} : memref<1000x100xf32, #tpu.memory_space<vmem>>, vector<1000x100xf32>,
    return
  }
  func.func @transform_0(%arg0: i32) -> (i32, i32) {
    %c0_i32 = arith.constant 0 : i32
    %c0_i32_0 = arith.constant 0 : i32
    return %arg0, %c0_i32 : i32, i32
  }
  func.func @transform_1(%arg0: i32) -> (i32, i32) {
    %c0_i32 = arith.constant 0 : i32
    %c0_i32_0 = arith.constant 0 : i32
    return %arg0, %c0_i32 : i32, i32
  }
  func.func @transform_2(%arg0: i32) -> (i32, i32) {
    %c0_i32 = arith.constant 0 : i32
    %c0_i32_0 = arith.constant 0 : i32
    return %arg0, %c0_i32 : i32, i32
  }
  func.func @transform_3(%arg0: i32) -> (i32, i32) {
    %c0_i32 = arith.constant 0 : i32
    %c0_i32_0 = arith.constant 0 : i32
    return %arg0, %c0_i32 : i32, i32
  }
  func.func @transform_4(%arg0: i32) -> (i32, i32) {
    %c0_i32 = arith.constant 0 : i32
    %c0_i32_0 = arith.constant 0 : i32
    %c0_i32_1 = arith.constant 0 : i32
    return %c0_i32, %c0_i32_0 : i32, i32
  }
  func.func @transform_5(%arg0: i32) -> (i32, i32) {
    %c0_i32 = arith.constant 0 : i32
    %c0_i32_0 = arith.constant 0 : i32
    return %arg0, %c0_i32 : i32, i32
  }
}

</mosaic_0001>

<sc_bundles>
// kernel: kernel.12.cloned.1.call-start
scs
__scs_entry_jumppad:
0x0: {  	(pc) =	sbr.rel $0x88, $3  }
0x1: {  	(tag) =	ssettag $0x0;
	lr =	simm.s32 $0x1  }
0x2: {  	[smem:$0x3F9B] =	sst lr;
	_ =	strace $0xD0000000  }
0x3: {  	_ = 	snop  }
0x4: {  	_ = 	snop  }
0x5: {  	_ = 	snop  }
0x6: {  	_ = 	snop  }
0x7: {  	_ = 	snop  }
__scs_overlays_trampoline_lowered:
0x8: {  	[smem:$0x3FAA] =	sst s0  }
0x9: {  	[smem:$0x3FAB] =	sst s1  }
0xa: {  	[smem:$0x3FAC] =	sst s2  }
0xb: {  	[smem:$0x3FAD] =	sst s3  }
0xc: {  	[smem:$0x3FAE] =	sst s4  }
0xd: {  	[smem:$0x3FAF] =	sst s5  }
0xe: {  	[smem:$0x3FB0] =	sst s6  }
0xf: {  	[smem:$0x3FB1] =	sst s7  }
0x10: {  	[smem:$0x3FB2] =	sst s8  }
0x11: {  	[smem:$0x3FB3] =	sst s9;
	s0 =	simm.s32 @!p0 $0x0  }
0x12: {  	s1 =	sld [smem:$0x3F99];
	s0 =	simm.s32 @p0 $0x1  }
0x13: {  	[smem:$0x3FB4] =	sst s0;
	s0 =	simm.s32 @!p1 $0x0  }
0x14: {  	s2 =	sld [smem:$0x3F98];
	s0 =	simm.s32 @p1 $0x1  }
0x15: {  	[smem:$0x3FB5] =	sst s0;
	s0 =	simm.s32 @!p2 $0x0  }
0x16: {  	s3 =	sld [smem:$0x3FDB];
	s0 =	simm.s32 @p2 $0x1  }
0x17: {  	s4 =	simm.s32 $0x1BF5;
	[smem:$0x3FB7] =	sst s0  }
0x18: {  	s0 =	sld [smem:$0x3F9A];
	_ =	swait.ge [sflag:s4], $0x0  }
0x19: {  	s7 =	sld [smem:$0x3F9B]  }
0x1a: {  	s8 =	sadd.s32 $0xFFFFE003, lr  }
0x1b: {  	s9 =	sadd.s32 $0xFFFFFEF7, lr;
	s5 =	simm.s32 $0xFFFFFFFF;
	p2 =	slt.u32 s8, $0xFFFFF086  }
0x1c: {  	p1 =	slt.u32 s9, $0xF7A;
	s5 =	simm.s32 @!p2 $0x0  }
0x1d: {  	s5 =	simm.s32 @p1 $0x1;
	p0 =	seq.s32 s7, s2  }
0x1e: {  	s7 =	smul.u32 @!p0 $0xF7A, s2;
	p2 =	seq.s32 @!p0 s5, $0x0  }
0x1f: {  	s9 =	smul.u32 $0xF7A, s1;
	s8 =	simm.s32 @!p0 $0x1BF5;
	p2 =	por !p2, p0  }
0x20: {  	[sflag:s8] =	ssyncset.s32 @!p0 $0xFFFFF086;
	s6 =	sadd.s32 @!p0 s3, s7;
	s7 =	simm.s32 @!p0 $0x108  }
0x21: {  	s3 =	sadd.s32 s3, s9;
	s6 =	sadd.s32 @!p0 $0x88, s6;
	s7 =	simm.s32 @p2 $0x1082  }
0x22: {  	[simem:s7], [sflag:s8] =	dma.local @!p0 [hbm:s6], $0xF7A  }
0x23: {  	s9 =	sor.u32 $0xD0000000, s2;
	s6 =	simm.s32 $0x108;
	_ =	swait.ge @!p0 [sflag:s8], $0x0  }
0x24: {  	s3 =	sadd.s32 $0x88, s3;
	s6 =	simm.s32 @!p1 $0x1082;
	[sflag:s4] =	ssyncset.s32 $0xFFFFF086  }
0x25: {  	[simem:s6], [sflag:s4] =	dma.local [hbm:s3], $0xF7A  }
0x26: {  	[smem:$0x3F9B] =	sst s1;
	(tag) =	ssettag s2;
	_ =	strace s9  }
0x27: {  	s1 =	sld [smem:$0x3FAB]  }
0x28: {  	s2 =	sld [smem:$0x3FAC]  }
0x29: {  	s4 =	sld [smem:$0x3FAE]  }
0x2a: {  	p0 =	seq.s32 s5, $0x0;
	s5 =	sld [smem:$0x3FAF]  }
0x2b: {  	s6 =	sld [smem:$0x3FB0]  }
0x2c: {  	s7 =	sld [smem:$0x3FB1]  }
0x2d: {  	s3 =	simm.s32 $0x108;
	s8 =	sld [smem:$0x3FB2]  }
0x2e: {  	s3 =	simm.s32 @!p0 $0x1082;
	s9 =	sld [smem:$0x3FB3]  }
0x2f: {  	lr =	sadd.s32 s0, s3;
	s0 =	sld [smem:$0x3FAA]  }
0x30: {  	s3 =	sld [smem:$0x3FAD]  }
0x31: {  	[smem:$0x3FB6] =	sst s10  }
0x32: {  	s10 =	sld [smem:$0x3FB4];
	_ =	sdelay $0x3  }
0x33: {  	p0 =	seq.s32 s10, $0x1;
	s10 =	sld [smem:$0x3FB6];
	_ =	sdelay $0x3  }
0x34: {  	[smem:$0x3FB6] =	sst s10  }
0x35: {  	s10 =	sld [smem:$0x3FB5];
	_ =	sdelay $0x3  }
0x36: {  	p1 =	seq.s32 s10, $0x1;
	s10 =	sld [smem:$0x3FB6];
	_ =	sdelay $0x3  }
0x37: {  	[smem:$0x3FB6] =	sst s10  }
0x38: {  	s10 =	sld [smem:$0x3FB7]  }
0x39: {  	_ = 	snop;
	(pc) =	sbr.ind lr, $3  }
0x3a: {  	_ = 	snop  }
0x3b: {  	_ = 	snop  }
0x3c: {  	p2 =	seq.s32 s10, $0x1;
	s10 =	sld [smem:$0x3FB6]  }
0x3d: {  	_ =	shalt  }
0x3e: {  	_ =	shalt  }
0x3f: {  	_ =	shalt  }
0x40: {  	_ =	shalt  }
0x41: {  	_ =	shalt  }
0x42: {  	_ =	shalt  }
0x43: {  	_ =	shalt  }
0x44: {  	_ =	shalt  }
0x45: {  	_ =	shalt  }
0x46: {  	_ =	shalt  }
0x47: {  	_ =	shalt  }
0x48: {  	_ =	shalt  }
0x49: {  	_ =	shalt  }
0x4a: {  	_ =	shalt  }
0x4b: {  	_ =	shalt  }
0x4c: {  	_ =	shalt  }
0x4d: {  	_ =	shalt  }
0x4e: {  	_ =	shalt  }
0x4f: {  	_ =	shalt  }
0x50: {  	_ =	shalt  }
0x51: {  	_ =	shalt  }
0x52: {  	_ =	shalt  }
0x53: {  	_ =	shalt  }
0x54: {  	_ =	shalt  }
0x55: {  	_ =	shalt  }
0x56: {  	_ =	shalt  }
0x57: {  	_ =	shalt  }
0x58: {  	_ =	shalt  }
0x59: {  	_ =	shalt  }
0x5a: {  	_ =	shalt  }
0x5b: {  	_ =	shalt  }
0x5c: {  	_ =	shalt  }
0x5d: {  	_ =	shalt  }
0x5e: {  	_ =	shalt  }
0x5f: {  	_ =	shalt  }
0x60: {  	_ =	shalt  }
0x61: {  	_ =	shalt  }
0x62: {  	_ =	shalt  }
0x63: {  	_ =	shalt  }
0x64: {  	_ =	shalt  }
0x65: {  	_ =	shalt  }
0x66: {  	_ =	shalt  }
0x67: {  	_ =	shalt  }
0x68: {  	_ =	shalt  }
0x69: {  	_ =	shalt  }
0x6a: {  	_ =	shalt  }
0x6b: {  	_ =	shalt  }
0x6c: {  	_ =	shalt  }
0x6d: {  	_ =	shalt  }
0x6e: {  	_ =	shalt  }
0x6f: {  	_ =	shalt  }
0x70: {  	_ =	shalt  }
0x71: {  	_ =	shalt  }
0x72: {  	_ =	shalt  }
0x73: {  	_ =	shalt  }
0x74: {  	_ =	shalt  }
0x75: {  	_ =	shalt  }
0x76: {  	_ =	shalt  }
0x77: {  	_ =	shalt  }
0x78: {  	_ =	shalt  }
0x79: {  	_ =	shalt  }
0x7a: {  	_ =	shalt  }
0x7b: {  	_ =	shalt  }
0x7c: {  	_ =	shalt  }
0x7d: {  	_ =	shalt  }
0x7e: {  	_ =	shalt  }
0x7f: {  	_ =	shalt  }
0x80: {  	_ =	shalt  }
0x81: {  	_ =	shalt  }
0x82: {  	_ =	shalt  }
0x83: {  	_ =	shalt  }
0x84: {  	_ =	shalt  }
0x85: {  	_ =	shalt  }
0x86: {  	_ =	shalt  }
0x87: {  	_ =	shalt  }
.Lfunc_end0:
.L_simem_size_0:
called_computation.1_lowered:
.L_overlay_start_0:
0x88: {  	s2 =	sld [smem:$0x3FD9]  }
0x89: {  	s3 =	sld [smem:$0x3FFE];
	_ =	sdelay $0x1  }
0x8a: {  	s1 =	srdreg.scid  }
0x8b: {  	s0 =	sand.u32 $0x1, s1  }
0x8c: {  	s17 =	sshll.u32 s0, $0xA;
	s2 =	sadd.s32 s3, s2  }
0x8d: {  	s2 =	sadd.s32 s2, s17  }
0x8e: {  	[smem:$0x3FC2] =	sst s2  }
0x8f: {  	_ = 	snop  }
0x90: {  	s2 =	sld [smem:$0x3FD0];
	(tm) =	ssettm $0x1  }
0x91: {  	s18 =	sld [smem:$0x3FFB];
	_ =	sdelay $0x3  }
0x92: {  	_ =	strace s18  }
0x93: {  	s3 =	sld [smem:$0x3FFC];
	_ =	sdelay $0x3  }
0x94: {  	_ =	strace s3  }
0x95: {  	s3 =	sld [smem:$0x3FFD];
	_ =	sdelay $0x3  }
0x96: {  	_ =	strace s3  }
0x97: {  	_ =	strace $0x8FFFFFFF  }
0x98: {  	s19 =	sld [smem:$0x3FDB];
	_ =	sdelay $0x1  }
0x99: {  	s4 =	simm.s32 $_scs_section_size  }
0x9a: {  	s5 =	simm.s32 $_size__tile_overlayer_lowered;
	s6 =	simm.s32 $_tile_overlayer_lowered  }
0x9b: {  	s22 =	simm.s32 $0x1BFF;
	s21 =	sshll.u32 s6, $0x1;
	s3 =	sadd.s32 s4, s19  }
0x9c: {  	s7 =	simm.s32 $0x0;
	s20 =	sshll.u32 s5, $0x1;
	s5 =	sadd.s32 s21, s3  }
0x9d: {  	[timem:s7], [sflag:s22] =	dma.local [hbm:s5], s20  }
0x9e: {  	_ =	swait.ge [sflag:s22], s20  }
0x9f: {  	s4 =	ssub.s32 $0x0, s20;
	[sflag:s22] =	ssyncset.done $0x0  }
0xa0: {  	[sflag:s22] =	ssyncadd.s32 s4;
	_ =	sdelay $0x1  }
0xa1: {  	s23 =	simm.s32 $0x1B8B  }
0xa2: {  	_ =	swait.ge [sflag:s23], $0x1  }
0xa3: {  	[sflag:s23] =	ssyncset.done $0x0  }
0xa4: {  	s25 =	simm.s32 $0x1B8E;
	s24 =	sld [smem:$0x3FFE];
	[sflag:s23] =	ssyncadd.s32 $0xFFFFFFFF  }
0xa5: {  	s26 =	simm.s32 $execute0_lowered;
	[smem:$0x3FD2] =	sst s25  }
0xa6: {  	s5 =	sshll.u32 s26, $0x1;
	_ =	strace $0x80000049;
	[dreg:$0x1] =	wrdreg $0xFFFFFFFF  }
0xa7: {  	s28 =	simm.s32 $_size_execute0_lowered;
	s3 =	sadd.s32 s3, s5;
	[dreg:$0x0] =	wrdreg $0x0  }
0xa8: {  	s5 =	sshll.u32 s28, $0x1;
	[dreg:$0x2] =	wrdreg s3  }
0xa9: {  	[dreg:$0x3] =	wrdreg s5  }
0xaa: {  	[dreg:$0x4] =	wrdreg $0xC0  }
0xab: {  	_ =	task [dreg:s7], $0x5FFFF  }
0xac: {  	[dreg:$0x1] =	wrdreg $0xFFFFFFFF  }
0xad: {  	[dreg:$0x0] =	wrdreg $0x60  }
0xae: {  	[dreg:$0x2] =	wrdreg s24  }
0xaf: {  	[dreg:$0x3] =	wrdreg s2  }
0xb0: {  	[dreg:$0x4] =	wrdreg $0xA8000  }
0xb1: {  	[dreg:$0x5] =	wrdreg $0x9  }
0xb2: {  	_ =	task.clear_ibuf [dreg:s7], $0x6FFFF;
	_ =	strace $0x90000049  }
0xb3: {  	s29 =	simm.s32 $0x9;
	_ =	strace $0x8000004B  }
0xb4: {  	_ =	swait.ge [sflag:s29], $0x1  }
0xb5: {  	[sflag:s29] =	ssyncadd.s32 $0xFFFFFFFF  }
0xb6: {  	_ =	strace $0x9000004B  }
0xb7: {  	_ =	sfence  }
0xb8: {  	s30 =	sld [smem:$0x0];
	_ =	sdelay $0x2  }
0xb9: {  	s31 =	sshll.u32 s1, $0xD;
	s1 =	sshrl.u32 s1, $0x2  }
0xba: {  	s3 =	sand.u32 $0x4000, s31;
	s1 =	sadd.s32 s1, s30  }
0xbb: {  	s0 =	sor.u32 s3, s0;
	s1 =	sshll.u32 s1, $0x11  }
0xbc: {  	s0 =	sor.u32 s1, s0  }
0xbd: {  	s0 =	sadd.s32 $0x8F2B, s0  }
0xbe: {  	[sflag:s0] =	ssyncadd.remote.s32 $0x1  }
0xbf: {  	_ =	sfence.sel $0xFFFF  }
0xc0: {  	[dreg:$0x0] =	wrdreg $0xFFFFFFFF;
	(pc) =	sbr.abs _section_cstart, $3  }
0xc1: {  	[dreg:$0x1] =	wrdreg $0xFFFFFFFF  }
0xc2: {  	_ =	task.clear_ibuf [dreg:s7], $0x2FFFF;
	_ =	strace $0x9FFFFFFF  }
0xc3: {  	(tm) =	ssettm $0x7FFFFFFF  }
tec
execute0_lowered:
.L_overlay_start_1:
0x0: {  	(tag) =	ssettag $0x1  }
0x1: {  	s1 =	srdreg.scid  }
0x2: {  	s1 =	sand.u32 $0x1, s1  }
0x3: {  	p0 =	seq.s32 s1, $0x1  }
.Ltmp0:
0x4: {  	s11 =	rddreg [dreg:$0x0];
	(pc) =	sbr.rel @p0 .LBB2_6-.Ltmp0, $4  }
0x5: {  	s6 =	rddreg [dreg:$0x1]  }
0x6: {  	s2 =	rddreg [dreg:$0x2];
	s9 =	simm.s32 $0x0  }
0x7: {  	[smem:$0x7FF] =	sst s9  }
0x8: {  	s0 =	rddreg [dreg:$0x3];
	_ =	strace $0x8000004A;
	s1 =	stileid.u32  }
0x9: {  	s3 =	smul.u32 $0x4F000, s1;
	_ =	sdelay $0x1  }
0xa: {  	s12 =	smul.u32 $0x2780, s1;
	s4 =	sadd.s32 $0x33C00, s11;
	s3 =	sshrl.u32 s3, $0x2  }
0xb: {  	s26 =	sshll.u32 s1, $0x6;
	s28 =	simm.s32 $0x5;
	s5 =	sadd.s32 s3, s2  }
0xc: {  	s7 =	sadd.s32 s4, s12;
	s3 =	sor.u32 $0x1C05, s26;
	s4 =	sshrl.u32 s5, $0x3  }
0xd: {  	[spmem:s4], [sflag:s3] =	dma.local [hbm:s7], $0x2780  }
0xe: {  	_ =	swait.ge [sflag:s28], $0x2780  }
0xf: {  	s29 =	smul.u32 $0x500, s1;
	[sflag:s28] =	ssyncset.done $0x0  }
0x10: {  	s14 =	sadd.s32 $0x7A00, s11;
	[sflag:s28] =	ssyncadd.s32 $0xFFFFD880  }
0x11: {  	s8 =	sadd.s32 s14, s29;
	[bflag:$0x0] =	sbarrier.arrive $0xFFFF  }
0x12: {  	[tilespmem:s9], [sflag:$0x5] =	stream.linear.gather [hbm4b:s8+s9], $0x1400, $0x38;
	[tilespmem:$0x1E400] =	vst v63  }
0x13: {  	_ =	swait.ge [sflag:s28], $0x1400  }
0x14: {  	[sflag:s28] =	ssyncset.done $0x0  }
0x15: {  	s13 =	simm.s32 $0x1400;
	s5 =	sadd.s32 s6, s29;
	[sflag:s28] =	ssyncadd.s32 $0xFFFFEC00  }
0x16: {  	[tilespmem:s13], [sflag:$0x5] =	stream.linear.gather [hbm4b:s5+s9], $0x1400, $0x38;
	[tilespmem:$0x1E400] =	vst v63  }
0x17: {  	_ =	swait.ge [sflag:s28], $0x1400  }
0x18: {  	s7 =	simm.s32 $0x80;
	[sflag:s28] =	ssyncset.done $0x0  }
0x19: {  	s8 =	simm.s32 $0x2800;
	s5 =	sadd.s32 $0xCA00, s11;
	[sflag:s28] =	ssyncadd.s32 $0xFFFFEC00  }
0x1a: {  	[tilespmem:s8], [sflag:$0x1] =	stream.indirect.gather [hbm4b:s5+s7], $0x80, s9, s7, $0xb8;
	[tilespmem:$0x1E400] =	vst v63  }
0x1b: {  	s10 =	simm.s32 $0x1;
	s9 =	simm.s32 $0x6800  }
0x1c: {  	[tilespmem:s9], [sflag:$0x2] =	stream.indirect.gather [hbm4b:s5+s7], $0x80, s7, s7, $0xb8;
	[tilespmem:$0x1E400] =	vst v63  }
0x1d: {  	_ =	swait.ge [sflag:s10], $0x4000  }
0x1e: {  	[sflag:s10] =	ssyncset.done $0x0  }
0x1f: {  	[sflag:s10] =	ssyncadd.s32 $0xFFFFC000  }
0x20: {  	[spmem:s2] =	stream.indirect.scatter.add.f32 [tilespmem:s8], [sflag:$0x3], $0x80, s13, s7, $0xb8;
	[tilespmem:$0x1E400] =	vst v63  }
0x21: {  	s13 =	simm.s32 $0x3  }
0x22: {  	_ =	swait.ge [sflag:s13], $0x4000  }
0x23: {  	[sflag:s13] =	ssyncset.done $0x0  }
0x24: {  	s15 =	simm.s32 $0x2;
	s16 =	simm.s32 $0x100;
	[sflag:s13] =	ssyncadd.s32 $0xFFFFC000  }
0x25: {  	[tilespmem:s8], [sflag:$0x1] =	stream.indirect.gather [hbm4b:s5+s7], $0x80, s16, s7, $0xb8;
	[tilespmem:$0x1E400] =	vst v63  }
0x26: {  	_ =	swait.ge [sflag:s15], $0x4000  }
0x27: {  	[sflag:s15] =	ssyncset.done $0x0  }
0x28: {  	s17 =	simm.s32 $0x1480;
	s16 =	simm.s32 $0x4;
	[sflag:s15] =	ssyncadd.s32 $0xFFFFC000  }
0x29: {  	[spmem:s2] =	stream.indirect.scatter.add.f32 [tilespmem:s9], [sflag:$0x4], $0x80, s17, s7, $0xb8;
	[tilespmem:$0x1E400] =	vst v63  }
0x2a: {  	s30 =	smul.u32 $0x2800, s1;
	_ =	swait.ge [sflag:s16], $0x4000  }
0x2b: {  	s18 =	simm.s32 $0x180;
	[sflag:s16] =	ssyncset.done $0x0  }
0x2c: {  	s31 =	sadd.s32 s12, s11;
	s17 =	sshrl.u32 s30, $0x3;
	[sflag:s16] =	ssyncadd.s32 $0xFFFFC000  }
0x2d: {  	[tilespmem:s9], [sflag:$0x2] =	stream.indirect.gather [hbm4b:s5+s7], $0x80, s18, s7, $0xb8;
	[tilespmem:$0x1E400] =	vst v63  }
0x2e: {  	s11 =	simm.s32 $0xFFFFB800;
	s17 =	sadd.s32 $0x280, s17;
	_ =	swait.ge [sflag:s10], $0x4000  }
0x2f: {  	s14 =	sadd.s32 s14, s17;
	s12 =	sadd.s32 s6, s17;
	[sflag:s10] =	ssyncset.done $0x0  }
0x30: {  	s6 =	sadd.s32 $0x5B400, s31;
	s17 =	simm.s32 $0x1500;
	[sflag:s10] =	ssyncadd.s32 $0xFFFFC000  }
.LBB2_2:
0x31: {  	[spmem:s2] =	stream.indirect.scatter.add.f32 [tilespmem:s8], [sflag:$0x3], $0x80, s17, s7, $0xb8;
	[tilespmem:$0x1E400] =	vst v63  }
0x32: {  	s17 =	smov.u32 s11  }
0x33: {  	p0 =	sne.s32 s11, $0xFFFFFC00;
	s11 =	sadd.s32 $0x400, s11;
	_ =	swait.ge [sflag:s13], $0x4000  }
0x34: {  	s17 =	sshra.s32 s17, $0x2;
	[sflag:s13] =	ssyncset.done $0x0  }
0x35: {  	s18 =	sadd.s32 $0x1400, s17;
	[sflag:s13] =	ssyncadd.s32 $0xFFFFC000  }
0x36: {  	[tilespmem:s8], [sflag:$0x1] =	stream.indirect.gather [hbm4b:s5+s7], $0x80, s18, s7, $0xb8;
	[tilespmem:$0x1E400] =	vst v63  }
0x37: {  	_ =	swait.ge [sflag:s15], $0x4000  }
0x38: {  	[sflag:s15] =	ssyncset.done $0x0  }
0x39: {  	s18 =	sadd.s32 $0x2780, s17;
	[sflag:s15] =	ssyncadd.s32 $0xFFFFC000  }
0x3a: {  	[spmem:s2] =	stream.indirect.scatter.add.f32 [tilespmem:s9], [sflag:$0x4], $0x80, s18, s7, $0xb8;
	[tilespmem:$0x1E400] =	vst v63  }
0x3b: {  	_ =	swait.ge [sflag:s16], $0x4000  }
0x3c: {  	[sflag:s16] =	ssyncset.done $0x0  }
.Ltmp1:
0x3d: {  	s18 =	sadd.s32 $0x1480, s17;
	[sflag:s16] =	ssyncadd.s32 $0xFFFFC000;
	(pc) =	sbr.rel @p0 .LBB2_2-.Ltmp1, $4  }
0x3e: {  	[tilespmem:s9], [sflag:$0x2] =	stream.indirect.gather [hbm4b:s5+s7], $0x80, s18, s7, $0xb8;
	[tilespmem:$0x1E400] =	vst v63  }
0x3f: {  	_ =	swait.ge [sflag:s10], $0x4000  }
0x40: {  	[sflag:s10] =	ssyncset.done $0x0  }
0x41: {  	s17 =	sadd.s32 $0x2800, s17;
	[sflag:s10] =	ssyncadd.s32 $0xFFFFC000  }
0x42: {  	[spmem:s2] =	stream.indirect.scatter.add.f32 [tilespmem:s8], [sflag:$0x3], $0x80, s17, s7, $0xb8;
	[tilespmem:$0x1E400] =	vst v63  }
0x43: {  	s7 =	simm.s32 $0x2  }
0x44: {  	_ =	swait.ge [sflag:s7], $0x4000  }
0x45: {  	s8 =	simm.s32 $0x80;
	[sflag:s7] =	ssyncset.done $0x0  }
0x46: {  	s10 =	simm.s32 $0x2780;
	s9 =	simm.s32 $0x6800;
	[sflag:s7] =	ssyncadd.s32 $0xFFFFC000  }
0x47: {  	[spmem:s2] =	stream.indirect.scatter.add.f32 [tilespmem:s9], [sflag:$0x4], $0x80, s10, s8, $0xb8;
	[tilespmem:$0x1E400] =	vst v63  }
0x48: {  	s10 =	simm.s32 $0x3  }
0x49: {  	_ =	swait.ge [sflag:s10], $0x4000  }
0x4a: {  	[sflag:s10] =	ssyncset.done $0x0  }
0x4b: {  	s11 =	simm.s32 $0x4;
	[sflag:s10] =	ssyncadd.s32 $0xFFFFC000  }
0x4c: {  	_ =	swait.ge [sflag:s11], $0x4000  }
0x4d: {  	[sflag:s11] =	ssyncset.done $0x0  }
0x4e: {  	s13 =	simm.s32 $0x0;
	s28 =	simm.s32 $0x5;
	[sflag:s11] =	ssyncadd.s32 $0xFFFFC000  }
0x4f: {  	[tilespmem:s13], [sflag:$0x5] =	stream.linear.gather [hbm4b:s14+s13], $0x1400, $0x38;
	[tilespmem:$0x1E400] =	vst v63  }
0x50: {  	_ =	swait.ge [sflag:s28], $0x1400  }
0x51: {  	[sflag:s28] =	ssyncset.done $0x0  }
0x52: {  	s15 =	simm.s32 $0x1400;
	[sflag:s28] =	ssyncadd.s32 $0xFFFFEC00  }
0x53: {  	[tilespmem:s15], [sflag:$0x5] =	stream.linear.gather [hbm4b:s12+s13], $0x1400, $0x38;
	[tilespmem:$0x1E400] =	vst v63  }
0x54: {  	_ =	swait.ge [sflag:s28], $0x1400  }
0x55: {  	[sflag:s28] =	ssyncset.done $0x0  }
0x56: {  	s12 =	simm.s32 $0x2800;
	[sflag:s28] =	ssyncadd.s32 $0xFFFFEC00  }
0x57: {  	[tilespmem:s12], [sflag:$0x1] =	stream.indirect.gather [hbm4b:s5+s8], $0x80, s13, s8, $0xb8;
	[tilespmem:$0x1E400] =	vst v63  }
0x58: {  	s13 =	simm.s32 $0x1  }
0x59: {  	[tilespmem:s9], [sflag:$0x2] =	stream.indirect.gather [hbm4b:s5+s8], $0x80, s8, s8, $0xb8;
	[tilespmem:$0x1E400] =	vst v63  }
0x5a: {  	_ =	swait.ge [sflag:s13], $0x4000  }
0x5b: {  	[sflag:s13] =	ssyncset.done $0x0  }
0x5c: {  	[sflag:s13] =	ssyncadd.s32 $0xFFFFC000  }
0x5d: {  	[spmem:s2] =	stream.indirect.scatter.add.f32 [tilespmem:s12], [sflag:$0x3], $0x80, s15, s8, $0xb8;
	[tilespmem:$0x1E400] =	vst v63  }
0x5e: {  	_ =	swait.ge [sflag:s10], $0x4000  }
0x5f: {  	[sflag:s10] =	ssyncset.done $0x0  }
0x60: {  	s29 =	simm.s32 $0x100;
	[sflag:s10] =	ssyncadd.s32 $0xFFFFC000  }
0x61: {  	[tilespmem:s12], [sflag:$0x1] =	stream.indirect.gather [hbm4b:s5+s8], $0x80, s29, s8, $0xb8;
	[tilespmem:$0x1E400] =	vst v63  }
0x62: {  	_ =	swait.ge [sflag:s7], $0x4000  }
0x63: {  	[sflag:s7] =	ssyncset.done $0x0  }
0x64: {  	s30 =	simm.s32 $0x1480;
	[sflag:s7] =	ssyncadd.s32 $0xFFFFC000  }
0x65: {  	[spmem:s2] =	stream.indirect.scatter.add.f32 [tilespmem:s9], [sflag:$0x4], $0x80, s30, s8, $0xb8;
	[tilespmem:$0x1E400] =	vst v63  }
0x66: {  	_ =	swait.ge [sflag:s11], $0x4000  }
0x67: {  	[sflag:s11] =	ssyncset.done $0x0  }
0x68: {  	s31 =	simm.s32 $0x180;
	[sflag:s11] =	ssyncadd.s32 $0xFFFFC000  }
0x69: {  	[tilespmem:s9], [sflag:$0x2] =	stream.indirect.gather [hbm4b:s5+s8], $0x80, s31, s8, $0xb8;
	[tilespmem:$0x1E400] =	vst v63  }
0x6a: {  	_ =	swait.ge [sflag:s13], $0x4000  }
0x6b: {  	[sflag:s13] =	ssyncset.done $0x0  }
0x6c: {  	s14 =	simm.s32 $0xFFFFB800;
	s15 =	simm.s32 $0x1500;
	[sflag:s13] =	ssyncadd.s32 $0xFFFFC000  }
.LBB2_4:
0x6d: {  	[spmem:s2] =	stream.indirect.scatter.add.f32 [tilespmem:s12], [sflag:$0x3], $0x80, s15, s8, $0xb8;
	[tilespmem:$0x1E400] =	vst v63  }
0x6e: {  	s15 =	smov.u32 s14  }
0x6f: {  	p0 =	sne.s32 s14, $0xFFFFFC00;
	s14 =	sadd.s32 $0x400, s14;
	_ =	swait.ge [sflag:s10], $0x4000  }
0x70: {  	s15 =	sshra.s32 s15, $0x2;
	[sflag:s10] =	ssyncset.done $0x0  }
0x71: {  	s16 =	sadd.s32 $0x1400, s15;
	[sflag:s10] =	ssyncadd.s32 $0xFFFFC000  }
0x72: {  	[tilespmem:s12], [sflag:$0x1] =	stream.indirect.gather [hbm4b:s5+s8], $0x80, s16, s8, $0xb8;
	[tilespmem:$0x1E400] =	vst v63  }
0x73: {  	_ =	swait.ge [sflag:s7], $0x4000  }
0x74: {  	[sflag:s7] =	ssyncset.done $0x0  }
0x75: {  	s16 =	sadd.s32 $0x2780, s15;
	[sflag:s7] =	ssyncadd.s32 $0xFFFFC000  }
0x76: {  	[spmem:s2] =	stream.indirect.scatter.add.f32 [tilespmem:s9], [sflag:$0x4], $0x80, s16, s8, $0xb8;
	[tilespmem:$0x1E400] =	vst v63  }
0x77: {  	_ =	swait.ge [sflag:s11], $0x4000  }
0x78: {  	[sflag:s11] =	ssyncset.done $0x0  }
.Ltmp2:
0x79: {  	s16 =	sadd.s32 $0x1480, s15;
	[sflag:s11] =	ssyncadd.s32 $0xFFFFC000;
	(pc) =	sbr.rel @p0 .LBB2_4-.Ltmp2, $4  }
0x7a: {  	[tilespmem:s9], [sflag:$0x2] =	stream.indirect.gather [hbm4b:s5+s8], $0x80, s16, s8, $0xb8;
	[tilespmem:$0x1E400] =	vst v63  }
0x7b: {  	_ =	swait.ge [sflag:s13], $0x4000  }
0x7c: {  	[sflag:s13] =	ssyncset.done $0x0  }
0x7d: {  	s15 =	sadd.s32 $0x2800, s15;
	[sflag:s13] =	ssyncadd.s32 $0xFFFFC000  }
0x7e: {  	[spmem:s2] =	stream.indirect.scatter.add.f32 [tilespmem:s12], [sflag:$0x3], $0x80, s15, s8, $0xb8;
	[tilespmem:$0x1E400] =	vst v63  }
0x7f: {  	s5 =	simm.s32 $0x2  }
0x80: {  	_ =	swait.ge [sflag:s5], $0x4000  }
0x81: {  	s26 =	simm.s32 $0x80;
	s7 =	simm.s32 $0x2780;
	[sflag:s5] =	ssyncset.done $0x0  }
0x82: {  	s28 =	simm.s32 $0x6800;
	s29 =	simm.s32 $0x3;
	[sflag:s5] =	ssyncadd.s32 $0xFFFFC000  }
0x83: {  	[spmem:s2] =	stream.indirect.scatter.add.f32 [tilespmem:s28], [sflag:$0x4], $0x80, s7, s26, $0xb8;
	[tilespmem:$0x1E400] =	vst v63  }
0x84: {  	_ =	swait.ge [sflag:s29], $0x4000  }
0x85: {  	[sflag:s29] =	ssyncset.done $0x0  }
0x86: {  	s30 =	simm.s32 $0x4;
	[sflag:s29] =	ssyncadd.s32 $0xFFFFC000  }
0x87: {  	_ =	swait.ge [sflag:s30], $0x4000  }
0x88: {  	[sflag:s30] =	ssyncset.done $0x0  }
0x89: {  	[sflag:s30] =	ssyncadd.s32 $0xFFFFC000  }
0x8a: {  	s31 =	simm.s32 $0x5;
	[bflag:$0x0] =	sbarrier.arrive $0xFFFF  }
0x8b: {  	[hbm:s6], [sflag:s3] =	dma.local [spmem:s4], $0x2780  }
0x8c: {  	_ =	swait.ge [sflag:s31], $0x2780  }
0x8d: {  	[sflag:s31] =	ssyncset.done $0x0  }
0x8e: {  	[sflag:s31] =	ssyncadd.s32 $0xFFFFD880  }
.LBB2_6:
0x8f: {  	_ =	sfence.sel $0x180000  }
0x90: {  	[bflag:$0x0] =	sbarrier.arrive $0xFFFF  }
0x91: {  	p0 =	sne.s32 s1, $0x0;
	_ =	strace $0x9000004A  }
0x92: {  	s0 =	sadd.s32 @!p0 $0x100000, s0;
	[bflag:$0x2] =	sbarrier.arrive $0xFFFF  }
0x93: {  	[sflag:s0] =	ssyncadd.tile.s32 @!p0 $0x1;
	_ =	shalt  }
.Lfunc_end2:
_tile_overlayer_lowered:
.L_overlay_start_2:
0x94: {  	(tag) =	ssettag $0x2  }
0x95: {  	s0 =	rddreg [dreg:$0x0];
	s2 =	stileid.u32  }
0x96: {  	s1 =	rddreg [dreg:$0x1];
	p0 =	sne.s32 s2, $0x0  }
0x97: {  	s3 =	rddreg [dreg:$0x2];
	[bflag:$0x3] =	sbarrier.arrive $0xFFFF;
	s2 =	simm.s32 @!p0 $0x1C05  }
0x98: {  	[timem:s3], [sflag:s2] =	dma.local @!p0 [hbm:s0], s1  }
0x99: {  	s0 =	simm.s32 @!p0 $0x5  }
0x9a: {  	_ =	swait.ge @!p0 [sflag:s0], s1  }
0x9b: {  	s1 =	ssub.s32 @!p0 $0x0, s1;
	[sflag:s0] =	ssyncset.done @!p0 $0x0  }
0x9c: {  	[sflag:s0] =	ssyncadd.s32 @!p0 s1  }
0x9d: {  	[bflag:$0x3] =	sbarrier.arrive $0xFFFF  }
0x9e: {  	_ =	shalt  }

// kernel: kernel.15.cloned.1.call-start
scs
__scs_entry_jumppad:
0x0: {  	(pc) =	sbr.rel $0x88, $3  }
0x1: {  	(tag) =	ssettag $0x0;
	lr =	simm.s32 $0x1  }
0x2: {  	[smem:$0x3F9B] =	sst lr;
	_ =	strace $0xD0000000  }
0x3: {  	_ = 	snop  }
0x4: {  	_ = 	snop  }
0x5: {  	_ = 	snop  }
0x6: {  	_ = 	snop  }
0x7: {  	_ = 	snop  }
__scs_overlays_trampoline_lowered:
0x8: {  	[smem:$0x3FAA] =	sst s0  }
0x9: {  	[smem:$0x3FAB] =	sst s1  }
0xa: {  	[smem:$0x3FAC] =	sst s2  }
0xb: {  	[smem:$0x3FAD] =	sst s3  }
0xc: {  	[smem:$0x3FAE] =	sst s4  }
0xd: {  	[smem:$0x3FAF] =	sst s5  }
0xe: {  	[smem:$0x3FB0] =	sst s6  }
0xf: {  	[smem:$0x3FB1] =	sst s7  }
0x10: {  	[smem:$0x3FB2] =	sst s8  }
0x11: {  	[smem:$0x3FB3] =	sst s9;
	s0 =	simm.s32 @!p0 $0x0  }
0x12: {  	s1 =	sld [smem:$0x3F99];
	s0 =	simm.s32 @p0 $0x1  }
0x13: {  	[smem:$0x3FB4] =	sst s0;
	s0 =	simm.s32 @!p1 $0x0  }
0x14: {  	s2 =	sld [smem:$0x3F98];
	s0 =	simm.s32 @p1 $0x1  }
0x15: {  	[smem:$0x3FB5] =	sst s0;
	s0 =	simm.s32 @!p2 $0x0  }
0x16: {  	s3 =	sld [smem:$0x3FDB];
	s0 =	simm.s32 @p2 $0x1  }
0x17: {  	s4 =	simm.s32 $0x1BF5;
	[smem:$0x3FB7] =	sst s0  }
0x18: {  	s0 =	sld [smem:$0x3F9A];
	_ =	swait.ge [sflag:s4], $0x0  }
0x19: {  	s7 =	sld [smem:$0x3F9B]  }
0x1a: {  	s8 =	sadd.s32 $0xFFFFE003, lr  }
0x1b: {  	s9 =	sadd.s32 $0xFFFFFEF7, lr;
	s5 =	simm.s32 $0xFFFFFFFF;
	p2 =	slt.u32 s8, $0xFFFFF086  }
0x1c: {  	p1 =	slt.u32 s9, $0xF7A;
	s5 =	simm.s32 @!p2 $0x0  }
0x1d: {  	s5 =	simm.s32 @p1 $0x1;
	p0 =	seq.s32 s7, s2  }
0x1e: {  	s7 =	smul.u32 @!p0 $0xF7A, s2;
	p2 =	seq.s32 @!p0 s5, $0x0  }
0x1f: {  	s9 =	smul.u32 $0xF7A, s1;
	s8 =	simm.s32 @!p0 $0x1BF5;
	p2 =	por !p2, p0  }
0x20: {  	[sflag:s8] =	ssyncset.s32 @!p0 $0xFFFFF086;
	s6 =	sadd.s32 @!p0 s3, s7;
	s7 =	simm.s32 @!p0 $0x108  }
0x21: {  	s3 =	sadd.s32 s3, s9;
	s6 =	sadd.s32 @!p0 $0x88, s6;
	s7 =	simm.s32 @p2 $0x1082  }
0x22: {  	[simem:s7], [sflag:s8] =	dma.local @!p0 [hbm:s6], $0xF7A  }
0x23: {  	s9 =	sor.u32 $0xD0000000, s2;
	s6 =	simm.s32 $0x108;
	_ =	swait.ge @!p0 [sflag:s8], $0x0  }
0x24: {  	s3 =	sadd.s32 $0x88, s3;
	s6 =	simm.s32 @!p1 $0x1082;
	[sflag:s4] =	ssyncset.s32 $0xFFFFF086  }
0x25: {  	[simem:s6], [sflag:s4] =	dma.local [hbm:s3], $0xF7A  }
0x26: {  	[smem:$0x3F9B] =	sst s1;
	(tag) =	ssettag s2;
	_ =	strace s9  }
0x27: {  	s1 =	sld [smem:$0x3FAB]  }
0x28: {  	s2 =	sld [smem:$0x3FAC]  }
0x29: {  	s4 =	sld [smem:$0x3FAE]  }
0x2a: {  	p0 =	seq.s32 s5, $0x0;
	s5 =	sld [smem:$0x3FAF]  }
0x2b: {  	s6 =	sld [smem:$0x3FB0]  }
0x2c: {  	s7 =	sld [smem:$0x3FB1]  }
0x2d: {  	s3 =	simm.s32 $0x108;
	s8 =	sld [smem:$0x3FB2]  }
0x2e: {  	s3 =	simm.s32 @!p0 $0x1082;
	s9 =	sld [smem:$0x3FB3]  }
0x2f: {  	lr =	sadd.s32 s0, s3;
	s0 =	sld [smem:$0x3FAA]  }
0x30: {  	s3 =	sld [smem:$0x3FAD]  }
0x31: {  	[smem:$0x3FB6] =	sst s10  }
0x32: {  	s10 =	sld [smem:$0x3FB4];
	_ =	sdelay $0x3  }
0x33: {  	p0 =	seq.s32 s10, $0x1;
	s10 =	sld [smem:$0x3FB6];
	_ =	sdelay $0x3  }
0x34: {  	[smem:$0x3FB6] =	sst s10  }
0x35: {  	s10 =	sld [smem:$0x3FB5];
	_ =	sdelay $0x3  }
0x36: {  	p1 =	seq.s32 s10, $0x1;
	s10 =	sld [smem:$0x3FB6];
	_ =	sdelay $0x3  }
0x37: {  	[smem:$0x3FB6] =	sst s10  }
0x38: {  	s10 =	sld [smem:$0x3FB7]  }
0x39: {  	_ = 	snop;
	(pc) =	sbr.ind lr, $3  }
0x3a: {  	_ = 	snop  }
0x3b: {  	_ = 	snop  }
0x3c: {  	p2 =	seq.s32 s10, $0x1;
	s10 =	sld [smem:$0x3FB6]  }
0x3d: {  	_ =	shalt  }
0x3e: {  	_ =	shalt  }
0x3f: {  	_ =	shalt  }
0x40: {  	_ =	shalt  }
0x41: {  	_ =	shalt  }
0x42: {  	_ =	shalt  }
0x43: {  	_ =	shalt  }
0x44: {  	_ =	shalt  }
0x45: {  	_ =	shalt  }
0x46: {  	_ =	shalt  }
0x47: {  	_ =	shalt  }
0x48: {  	_ =	shalt  }
0x49: {  	_ =	shalt  }
0x4a: {  	_ =	shalt  }
0x4b: {  	_ =	shalt  }
0x4c: {  	_ =	shalt  }
0x4d: {  	_ =	shalt  }
0x4e: {  	_ =	shalt  }
0x4f: {  	_ =	shalt  }
0x50: {  	_ =	shalt  }
0x51: {  	_ =	shalt  }
0x52: {  	_ =	shalt  }
0x53: {  	_ =	shalt  }
0x54: {  	_ =	shalt  }
0x55: {  	_ =	shalt  }
0x56: {  	_ =	shalt  }
0x57: {  	_ =	shalt  }
0x58: {  	_ =	shalt  }
0x59: {  	_ =	shalt  }
0x5a: {  	_ =	shalt  }
0x5b: {  	_ =	shalt  }
0x5c: {  	_ =	shalt  }
0x5d: {  	_ =	shalt  }
0x5e: {  	_ =	shalt  }
0x5f: {  	_ =	shalt  }
0x60: {  	_ =	shalt  }
0x61: {  	_ =	shalt  }
0x62: {  	_ =	shalt  }
0x63: {  	_ =	shalt  }
0x64: {  	_ =	shalt  }
0x65: {  	_ =	shalt  }
0x66: {  	_ =	shalt  }
0x67: {  	_ =	shalt  }
0x68: {  	_ =	shalt  }
0x69: {  	_ =	shalt  }
0x6a: {  	_ =	shalt  }
0x6b: {  	_ =	shalt  }
0x6c: {  	_ =	shalt  }
0x6d: {  	_ =	shalt  }
0x6e: {  	_ =	shalt  }
0x6f: {  	_ =	shalt  }
0x70: {  	_ =	shalt  }
0x71: {  	_ =	shalt  }
0x72: {  	_ =	shalt  }
0x73: {  	_ =	shalt  }
0x74: {  	_ =	shalt  }
0x75: {  	_ =	shalt  }
0x76: {  	_ =	shalt  }
0x77: {  	_ =	shalt  }
0x78: {  	_ =	shalt  }
0x79: {  	_ =	shalt  }
0x7a: {  	_ =	shalt  }
0x7b: {  	_ =	shalt  }
0x7c: {  	_ =	shalt  }
0x7d: {  	_ =	shalt  }
0x7e: {  	_ =	shalt  }
0x7f: {  	_ =	shalt  }
0x80: {  	_ =	shalt  }
0x81: {  	_ =	shalt  }
0x82: {  	_ =	shalt  }
0x83: {  	_ =	shalt  }
0x84: {  	_ =	shalt  }
0x85: {  	_ =	shalt  }
0x86: {  	_ =	shalt  }
0x87: {  	_ =	shalt  }
.Lfunc_end0:
.L_simem_size_0:
called_computation.2_lowered:
.L_overlay_start_0:
0x88: {  	s2 =	sld [smem:$0x3FD9]  }
0x89: {  	s3 =	sld [smem:$0x3FFE];
	_ =	sdelay $0x1  }
0x8a: {  	s1 =	srdreg.scid  }
0x8b: {  	s0 =	sand.u32 $0x1, s1  }
0x8c: {  	s17 =	sshll.u32 s0, $0xA;
	s2 =	sadd.s32 s3, s2  }
0x8d: {  	s2 =	sadd.s32 s2, s17  }
0x8e: {  	[smem:$0x3FC2] =	sst s2  }
0x8f: {  	_ = 	snop  }
0x90: {  	s2 =	sld [smem:$0x3FD0];
	(tm) =	ssettm $0x1  }
0x91: {  	s18 =	sld [smem:$0x3FFB];
	_ =	sdelay $0x3  }
0x92: {  	_ =	strace s18  }
0x93: {  	s3 =	sld [smem:$0x3FFC];
	_ =	sdelay $0x3  }
0x94: {  	_ =	strace s3  }
0x95: {  	s3 =	sld [smem:$0x3FFD];
	_ =	sdelay $0x3  }
0x96: {  	_ =	strace s3  }
0x97: {  	_ =	strace $0x8FFFFFFF  }
0x98: {  	s19 =	sld [smem:$0x3FDB];
	_ =	sdelay $0x1  }
0x99: {  	s4 =	simm.s32 $_scs_section_size  }
0x9a: {  	s5 =	simm.s32 $_size__tile_overlayer_lowered;
	s6 =	simm.s32 $_tile_overlayer_lowered  }
0x9b: {  	s22 =	simm.s32 $0x1BFF;
	s21 =	sshll.u32 s6, $0x1;
	s3 =	sadd.s32 s4, s19  }
0x9c: {  	s7 =	simm.s32 $0x0;
	s20 =	sshll.u32 s5, $0x1;
	s5 =	sadd.s32 s21, s3  }
0x9d: {  	[timem:s7], [sflag:s22] =	dma.local [hbm:s5], s20  }
0x9e: {  	_ =	swait.ge [sflag:s22], s20  }
0x9f: {  	s4 =	ssub.s32 $0x0, s20;
	[sflag:s22] =	ssyncset.done $0x0  }
0xa0: {  	[sflag:s22] =	ssyncadd.s32 s4;
	_ =	sdelay $0x1  }
0xa1: {  	s23 =	simm.s32 $0x1B8B  }
0xa2: {  	_ =	swait.ge [sflag:s23], $0x1  }
0xa3: {  	[sflag:s23] =	ssyncset.done $0x0  }
0xa4: {  	s25 =	simm.s32 $0x1B8E;
	s24 =	sld [smem:$0x3FFE];
	[sflag:s23] =	ssyncadd.s32 $0xFFFFFFFF  }
0xa5: {  	s26 =	simm.s32 $execute0_lowered;
	[smem:$0x3FD2] =	sst s25  }
0xa6: {  	s5 =	sshll.u32 s26, $0x1;
	_ =	strace $0x8000004C;
	[dreg:$0x1] =	wrdreg $0xFFFFFFFF  }
0xa7: {  	s28 =	simm.s32 $_size_execute0_lowered;
	s3 =	sadd.s32 s3, s5;
	[dreg:$0x0] =	wrdreg $0x0  }
0xa8: {  	s5 =	sshll.u32 s28, $0x1;
	[dreg:$0x2] =	wrdreg s3  }
0xa9: {  	[dreg:$0x3] =	wrdreg s5  }
0xaa: {  	[dreg:$0x4] =	wrdreg $0xC0  }
0xab: {  	_ =	task [dreg:s7], $0x5FFFF  }
0xac: {  	[dreg:$0x1] =	wrdreg $0xFFFFFFFF  }
0xad: {  	[dreg:$0x0] =	wrdreg $0x60  }
0xae: {  	[dreg:$0x2] =	wrdreg s24  }
0xaf: {  	[dreg:$0x3] =	wrdreg s2  }
0xb0: {  	[dreg:$0x4] =	wrdreg $0xA8000  }
0xb1: {  	[dreg:$0x5] =	wrdreg $0x9  }
0xb2: {  	_ =	task.clear_ibuf [dreg:s7], $0x6FFFF;
	_ =	strace $0x9000004C  }
0xb3: {  	s29 =	simm.s32 $0x9;
	_ =	strace $0x8000004E  }
0xb4: {  	_ =	swait.ge [sflag:s29], $0x1  }
0xb5: {  	[sflag:s29] =	ssyncadd.s32 $0xFFFFFFFF  }
0xb6: {  	_ =	strace $0x9000004E  }
0xb7: {  	_ =	sfence  }
0xb8: {  	s30 =	sld [smem:$0x0];
	_ =	sdelay $0x2  }
0xb9: {  	s31 =	sshll.u32 s1, $0xD;
	s1 =	sshrl.u32 s1, $0x2  }
0xba: {  	s3 =	sand.u32 $0x4000, s31;
	s1 =	sadd.s32 s1, s30  }
0xbb: {  	s0 =	sor.u32 s3, s0;
	s1 =	sshll.u32 s1, $0x11  }
0xbc: {  	s0 =	sor.u32 s1, s0  }
0xbd: {  	s0 =	sadd.s32 $0x8F2B, s0  }
0xbe: {  	[sflag:s0] =	ssyncadd.remote.s32 $0x1  }
0xbf: {  	_ =	sfence.sel $0xFFFF  }
0xc0: {  	[dreg:$0x0] =	wrdreg $0xFFFFFFFF;
	(pc) =	sbr.abs _section_cstart, $3  }
0xc1: {  	[dreg:$0x1] =	wrdreg $0xFFFFFFFF  }
0xc2: {  	_ =	task.clear_ibuf [dreg:s7], $0x2FFFF;
	_ =	strace $0x9FFFFFFF  }
0xc3: {  	(tm) =	ssettm $0x7FFFFFFF  }
tec
execute0_lowered:
.L_overlay_start_1:
0x0: {  	(tag) =	ssettag $0x1  }
0x1: {  	s1 =	srdreg.scid  }
0x2: {  	s1 =	sand.u32 $0x1, s1  }
0x3: {  	p0 =	seq.s32 s1, $0x1  }
.Ltmp0:
0x4: {  	s11 =	rddreg [dreg:$0x0];
	(pc) =	sbr.rel @p0 .LBB2_6-.Ltmp0, $4  }
0x5: {  	s6 =	rddreg [dreg:$0x1]  }
0x6: {  	s2 =	rddreg [dreg:$0x2];
	s9 =	simm.s32 $0x0  }
0x7: {  	[smem:$0x7FF] =	sst s9  }
0x8: {  	s0 =	rddreg [dreg:$0x3];
	_ =	strace $0x8000004D;
	s1 =	stileid.u32  }
0x9: {  	s3 =	smul.u32 $0x4F000, s1;
	_ =	sdelay $0x1  }
0xa: {  	s12 =	smul.u32 $0x2780, s1;
	s4 =	sadd.s32 $0x33C00, s11;
	s3 =	sshrl.u32 s3, $0x2  }
0xb: {  	s26 =	sshll.u32 s1, $0x6;
	s28 =	simm.s32 $0x5;
	s5 =	sadd.s32 s3, s2  }
0xc: {  	s7 =	sadd.s32 s4, s12;
	s3 =	sor.u32 $0x1C05, s26;
	s4 =	sshrl.u32 s5, $0x3  }
0xd: {  	[spmem:s4], [sflag:s3] =	dma.local [hbm:s7], $0x2780  }
0xe: {  	_ =	swait.ge [sflag:s28], $0x2780  }
0xf: {  	s29 =	smul.u32 $0x500, s1;
	[sflag:s28] =	ssyncset.done $0x0  }
0x10: {  	s14 =	sadd.s32 $0x7A00, s11;
	[sflag:s28] =	ssyncadd.s32 $0xFFFFD880  }
0x11: {  	s8 =	sadd.s32 s14, s29;
	[bflag:$0x0] =	sbarrier.arrive $0xFFFF  }
0x12: {  	[tilespmem:s9], [sflag:$0x5] =	stream.linear.gather [hbm4b:s8+s9], $0x1400, $0x38;
	[tilespmem:$0x1E400] =	vst v63  }
0x13: {  	_ =	swait.ge [sflag:s28], $0x1400  }
0x14: {  	[sflag:s28] =	ssyncset.done $0x0  }
0x15: {  	s13 =	simm.s32 $0x1400;
	s5 =	sadd.s32 s6, s29;
	[sflag:s28] =	ssyncadd.s32 $0xFFFFEC00  }
0x16: {  	[tilespmem:s13], [sflag:$0x5] =	stream.linear.gather [hbm4b:s5+s9], $0x1400, $0x38;
	[tilespmem:$0x1E400] =	vst v63  }
0x17: {  	_ =	swait.ge [sflag:s28], $0x1400  }
0x18: {  	s7 =	simm.s32 $0x80;
	[sflag:s28] =	ssyncset.done $0x0  }
0x19: {  	s8 =	simm.s32 $0x2800;
	s5 =	sadd.s32 $0xCA00, s11;
	[sflag:s28] =	ssyncadd.s32 $0xFFFFEC00  }
0x1a: {  	[tilespmem:s8], [sflag:$0x1] =	stream.indirect.gather [hbm4b:s5+s7], $0x80, s9, s7, $0xb8;
	[tilespmem:$0x1E400] =	vst v63  }
0x1b: {  	s10 =	simm.s32 $0x1;
	s9 =	simm.s32 $0x6800  }
0x1c: {  	[tilespmem:s9], [sflag:$0x2] =	stream.indirect.gather [hbm4b:s5+s7], $0x80, s7, s7, $0xb8;
	[tilespmem:$0x1E400] =	vst v63  }
0x1d: {  	_ =	swait.ge [sflag:s10], $0x4000  }
0x1e: {  	[sflag:s10] =	ssyncset.done $0x0  }
0x1f: {  	[sflag:s10] =	ssyncadd.s32 $0xFFFFC000  }
0x20: {  	[spmem:s2] =	stream.indirect.scatter.add.f32 [tilespmem:s8], [sflag:$0x3], $0x80, s13, s7, $0xb8;
	[tilespmem:$0x1E400] =	vst v63  }
0x21: {  	s13 =	simm.s32 $0x3  }
0x22: {  	_ =	swait.ge [sflag:s13], $0x4000  }
0x23: {  	[sflag:s13] =	ssyncset.done $0x0  }
0x24: {  	s15 =	simm.s32 $0x2;
	s16 =	simm.s32 $0x100;
	[sflag:s13] =	ssyncadd.s32 $0xFFFFC000  }
0x25: {  	[tilespmem:s8], [sflag:$0x1] =	stream.indirect.gather [hbm4b:s5+s7], $0x80, s16, s7, $0xb8;
	[tilespmem:$0x1E400] =	vst v63  }
0x26: {  	_ =	swait.ge [sflag:s15], $0x4000  }
0x27: {  	[sflag:s15] =	ssyncset.done $0x0  }
0x28: {  	s17 =	simm.s32 $0x1480;
	s16 =	simm.s32 $0x4;
	[sflag:s15] =	ssyncadd.s32 $0xFFFFC000  }
0x29: {  	[spmem:s2] =	stream.indirect.scatter.add.f32 [tilespmem:s9], [sflag:$0x4], $0x80, s17, s7, $0xb8;
	[tilespmem:$0x1E400] =	vst v63  }
0x2a: {  	s30 =	smul.u32 $0x2800, s1;
	_ =	swait.ge [sflag:s16], $0x4000  }
0x2b: {  	s18 =	simm.s32 $0x180;
	[sflag:s16] =	ssyncset.done $0x0  }
0x2c: {  	s31 =	sadd.s32 s12, s11;
	s17 =	sshrl.u32 s30, $0x3;
	[sflag:s16] =	ssyncadd.s32 $0xFFFFC000  }
0x2d: {  	[tilespmem:s9], [sflag:$0x2] =	stream.indirect.gather [hbm4b:s5+s7], $0x80, s18, s7, $0xb8;
	[tilespmem:$0x1E400] =	vst v63  }
0x2e: {  	s11 =	simm.s32 $0xFFFFB800;
	s17 =	sadd.s32 $0x280, s17;
	_ =	swait.ge [sflag:s10], $0x4000  }
0x2f: {  	s14 =	sadd.s32 s14, s17;
	s12 =	sadd.s32 s6, s17;
	[sflag:s10] =	ssyncset.done $0x0  }
0x30: {  	s6 =	sadd.s32 $0x5B400, s31;
	s17 =	simm.s32 $0x1500;
	[sflag:s10] =	ssyncadd.s32 $0xFFFFC000  }
.LBB2_2:
0x31: {  	[spmem:s2] =	stream.indirect.scatter.add.f32 [tilespmem:s8], [sflag:$0x3], $0x80, s17, s7, $0xb8;
	[tilespmem:$0x1E400] =	vst v63  }
0x32: {  	s17 =	smov.u32 s11  }
0x33: {  	p0 =	sne.s32 s11, $0xFFFFFC00;
	s11 =	sadd.s32 $0x400, s11;
	_ =	swait.ge [sflag:s13], $0x4000  }
0x34: {  	s17 =	sshra.s32 s17, $0x2;
	[sflag:s13] =	ssyncset.done $0x0  }
0x35: {  	s18 =	sadd.s32 $0x1400, s17;
	[sflag:s13] =	ssyncadd.s32 $0xFFFFC000  }
0x36: {  	[tilespmem:s8], [sflag:$0x1] =	stream.indirect.gather [hbm4b:s5+s7], $0x80, s18, s7, $0xb8;
	[tilespmem:$0x1E400] =	vst v63  }
0x37: {  	_ =	swait.ge [sflag:s15], $0x4000  }
0x38: {  	[sflag:s15] =	ssyncset.done $0x0  }
0x39: {  	s18 =	sadd.s32 $0x2780, s17;
	[sflag:s15] =	ssyncadd.s32 $0xFFFFC000  }
0x3a: {  	[spmem:s2] =	stream.indirect.scatter.add.f32 [tilespmem:s9], [sflag:$0x4], $0x80, s18, s7, $0xb8;
	[tilespmem:$0x1E400] =	vst v63  }
0x3b: {  	_ =	swait.ge [sflag:s16], $0x4000  }
0x3c: {  	[sflag:s16] =	ssyncset.done $0x0  }
.Ltmp1:
0x3d: {  	s18 =	sadd.s32 $0x1480, s17;
	[sflag:s16] =	ssyncadd.s32 $0xFFFFC000;
	(pc) =	sbr.rel @p0 .LBB2_2-.Ltmp1, $4  }
0x3e: {  	[tilespmem:s9], [sflag:$0x2] =	stream.indirect.gather [hbm4b:s5+s7], $0x80, s18, s7, $0xb8;
	[tilespmem:$0x1E400] =	vst v63  }
0x3f: {  	_ =	swait.ge [sflag:s10], $0x4000  }
0x40: {  	[sflag:s10] =	ssyncset.done $0x0  }
0x41: {  	s17 =	sadd.s32 $0x2800, s17;
	[sflag:s10] =	ssyncadd.s32 $0xFFFFC000  }
0x42: {  	[spmem:s2] =	stream.indirect.scatter.add.f32 [tilespmem:s8], [sflag:$0x3], $0x80, s17, s7, $0xb8;
	[tilespmem:$0x1E400] =	vst v63  }
0x43: {  	s7 =	simm.s32 $0x2  }
0x44: {  	_ =	swait.ge [sflag:s7], $0x4000  }
0x45: {  	s8 =	simm.s32 $0x80;
	[sflag:s7] =	ssyncset.done $0x0  }
0x46: {  	s10 =	simm.s32 $0x2780;
	s9 =	simm.s32 $0x6800;
	[sflag:s7] =	ssyncadd.s32 $0xFFFFC000  }
0x47: {  	[spmem:s2] =	stream.indirect.scatter.add.f32 [tilespmem:s9], [sflag:$0x4], $0x80, s10, s8, $0xb8;
	[tilespmem:$0x1E400] =	vst v63  }
0x48: {  	s10 =	simm.s32 $0x3  }
0x49: {  	_ =	swait.ge [sflag:s10], $0x4000  }
0x4a: {  	[sflag:s10] =	ssyncset.done $0x0  }
0x4b: {  	s11 =	simm.s32 $0x4;
	[sflag:s10] =	ssyncadd.s32 $0xFFFFC000  }
0x4c: {  	_ =	swait.ge [sflag:s11], $0x4000  }
0x4d: {  	[sflag:s11] =	ssyncset.done $0x0  }
0x4e: {  	s13 =	simm.s32 $0x0;
	s28 =	simm.s32 $0x5;
	[sflag:s11] =	ssyncadd.s32 $0xFFFFC000  }
0x4f: {  	[tilespmem:s13], [sflag:$0x5] =	stream.linear.gather [hbm4b:s14+s13], $0x1400, $0x38;
	[tilespmem:$0x1E400] =	vst v63  }
0x50: {  	_ =	swait.ge [sflag:s28], $0x1400  }
0x51: {  	[sflag:s28] =	ssyncset.done $0x0  }
0x52: {  	s15 =	simm.s32 $0x1400;
	[sflag:s28] =	ssyncadd.s32 $0xFFFFEC00  }
0x53: {  	[tilespmem:s15], [sflag:$0x5] =	stream.linear.gather [hbm4b:s12+s13], $0x1400, $0x38;
	[tilespmem:$0x1E400] =	vst v63  }
0x54: {  	_ =	swait.ge [sflag:s28], $0x1400  }
0x55: {  	[sflag:s28] =	ssyncset.done $0x0  }
0x56: {  	s12 =	simm.s32 $0x2800;
	[sflag:s28] =	ssyncadd.s32 $0xFFFFEC00  }
0x57: {  	[tilespmem:s12], [sflag:$0x1] =	stream.indirect.gather [hbm4b:s5+s8], $0x80, s13, s8, $0xb8;
	[tilespmem:$0x1E400] =	vst v63  }
0x58: {  	s13 =	simm.s32 $0x1  }
0x59: {  	[tilespmem:s9], [sflag:$0x2] =	stream.indirect.gather [hbm4b:s5+s8], $0x80, s8, s8, $0xb8;
	[tilespmem:$0x1E400] =	vst v63  }
0x5a: {  	_ =	swait.ge [sflag:s13], $0x4000  }
0x5b: {  	[sflag:s13] =	ssyncset.done $0x0  }
0x5c: {  	[sflag:s13] =	ssyncadd.s32 $0xFFFFC000  }
0x5d: {  	[spmem:s2] =	stream.indirect.scatter.add.f32 [tilespmem:s12], [sflag:$0x3], $0x80, s15, s8, $0xb8;
	[tilespmem:$0x1E400] =	vst v63  }
0x5e: {  	_ =	swait.ge [sflag:s10], $0x4000  }
0x5f: {  	[sflag:s10] =	ssyncset.done $0x0  }
0x60: {  	s29 =	simm.s32 $0x100;
	[sflag:s10] =	ssyncadd.s32 $0xFFFFC000  }
0x61: {  	[tilespmem:s12], [sflag:$0x1] =	stream.indirect.gather [hbm4b:s5+s8], $0x80, s29, s8, $0xb8;
	[tilespmem:$0x1E400] =	vst v63  }
0x62: {  	_ =	swait.ge [sflag:s7], $0x4000  }
0x63: {  	[sflag:s7] =	ssyncset.done $0x0  }
0x64: {  	s30 =	simm.s32 $0x1480;
	[sflag:s7] =	ssyncadd.s32 $0xFFFFC000  }
0x65: {  	[spmem:s2] =	stream.indirect.scatter.add.f32 [tilespmem:s9], [sflag:$0x4], $0x80, s30, s8, $0xb8;
	[tilespmem:$0x1E400] =	vst v63  }
0x66: {  	_ =	swait.ge [sflag:s11], $0x4000  }
0x67: {  	[sflag:s11] =	ssyncset.done $0x0  }
0x68: {  	s31 =	simm.s32 $0x180;
	[sflag:s11] =	ssyncadd.s32 $0xFFFFC000  }
0x69: {  	[tilespmem:s9], [sflag:$0x2] =	stream.indirect.gather [hbm4b:s5+s8], $0x80, s31, s8, $0xb8;
	[tilespmem:$0x1E400] =	vst v63  }
0x6a: {  	_ =	swait.ge [sflag:s13], $0x4000  }
0x6b: {  	[sflag:s13] =	ssyncset.done $0x0  }
0x6c: {  	s14 =	simm.s32 $0xFFFFB800;
	s15 =	simm.s32 $0x1500;
	[sflag:s13] =	ssyncadd.s32 $0xFFFFC000  }
.LBB2_4:
0x6d: {  	[spmem:s2] =	stream.indirect.scatter.add.f32 [tilespmem:s12], [sflag:$0x3], $0x80, s15, s8, $0xb8;
	[tilespmem:$0x1E400] =	vst v63  }
0x6e: {  	s15 =	smov.u32 s14  }
0x6f: {  	p0 =	sne.s32 s14, $0xFFFFFC00;
	s14 =	sadd.s32 $0x400, s14;
	_ =	swait.ge [sflag:s10], $0x4000  }
0x70: {  	s15 =	sshra.s32 s15, $0x2;
	[sflag:s10] =	ssyncset.done $0x0  }
0x71: {  	s16 =	sadd.s32 $0x1400, s15;
	[sflag:s10] =	ssyncadd.s32 $0xFFFFC000  }
0x72: {  	[tilespmem:s12], [sflag:$0x1] =	stream.indirect.gather [hbm4b:s5+s8], $0x80, s16, s8, $0xb8;
	[tilespmem:$0x1E400] =	vst v63  }
0x73: {  	_ =	swait.ge [sflag:s7], $0x4000  }
0x74: {  	[sflag:s7] =	ssyncset.done $0x0  }
0x75: {  	s16 =	sadd.s32 $0x2780, s15;
	[sflag:s7] =	ssyncadd.s32 $0xFFFFC000  }
0x76: {  	[spmem:s2] =	stream.indirect.scatter.add.f32 [tilespmem:s9], [sflag:$0x4], $0x80, s16, s8, $0xb8;
	[tilespmem:$0x1E400] =	vst v63  }
0x77: {  	_ =	swait.ge [sflag:s11], $0x4000  }
0x78: {  	[sflag:s11] =	ssyncset.done $0x0  }
.Ltmp2:
0x79: {  	s16 =	sadd.s32 $0x1480, s15;
	[sflag:s11] =	ssyncadd.s32 $0xFFFFC000;
	(pc) =	sbr.rel @p0 .LBB2_4-.Ltmp2, $4  }
0x7a: {  	[tilespmem:s9], [sflag:$0x2] =	stream.indirect.gather [hbm4b:s5+s8], $0x80, s16, s8, $0xb8;
	[tilespmem:$0x1E400] =	vst v63  }
0x7b: {  	_ =	swait.ge [sflag:s13], $0x4000  }
0x7c: {  	[sflag:s13] =	ssyncset.done $0x0  }
0x7d: {  	s15 =	sadd.s32 $0x2800, s15;
	[sflag:s13] =	ssyncadd.s32 $0xFFFFC000  }
0x7e: {  	[spmem:s2] =	stream.indirect.scatter.add.f32 [tilespmem:s12], [sflag:$0x3], $0x80, s15, s8, $0xb8;
	[tilespmem:$0x1E400] =	vst v63  }
0x7f: {  	s5 =	simm.s32 $0x2  }
0x80: {  	_ =	swait.ge [sflag:s5], $0x4000  }
0x81: {  	s26 =	simm.s32 $0x80;
	s7 =	simm.s32 $0x2780;
	[sflag:s5] =	ssyncset.done $0x0  }
0x82: {  	s28 =	simm.s32 $0x6800;
	s29 =	simm.s32 $0x3;
	[sflag:s5] =	ssyncadd.s32 $0xFFFFC000  }
0x83: {  	[spmem:s2] =	stream.indirect.scatter.add.f32 [tilespmem:s28], [sflag:$0x4], $0x80, s7, s26, $0xb8;
	[tilespmem:$0x1E400] =	vst v63  }
0x84: {  	_ =	swait.ge [sflag:s29], $0x4000  }
0x85: {  	[sflag:s29] =	ssyncset.done $0x0  }
0x86: {  	s30 =	simm.s32 $0x4;
	[sflag:s29] =	ssyncadd.s32 $0xFFFFC000  }
0x87: {  	_ =	swait.ge [sflag:s30], $0x4000  }
0x88: {  	[sflag:s30] =	ssyncset.done $0x0  }
0x89: {  	[sflag:s30] =	ssyncadd.s32 $0xFFFFC000  }
0x8a: {  	s31 =	simm.s32 $0x5;
	[bflag:$0x0] =	sbarrier.arrive $0xFFFF  }
0x8b: {  	[hbm:s6], [sflag:s3] =	dma.local [spmem:s4], $0x2780  }
0x8c: {  	_ =	swait.ge [sflag:s31], $0x2780  }
0x8d: {  	[sflag:s31] =	ssyncset.done $0x0  }
0x8e: {  	[sflag:s31] =	ssyncadd.s32 $0xFFFFD880  }
.LBB2_6:
0x8f: {  	_ =	sfence.sel $0x180000  }
0x90: {  	[bflag:$0x0] =	sbarrier.arrive $0xFFFF  }
0x91: {  	p0 =	sne.s32 s1, $0x0;
	_ =	strace $0x9000004D  }
0x92: {  	s0 =	sadd.s32 @!p0 $0x100000, s0;
	[bflag:$0x2] =	sbarrier.arrive $0xFFFF  }
0x93: {  	[sflag:s0] =	ssyncadd.tile.s32 @!p0 $0x1;
	_ =	shalt  }
.Lfunc_end2:
_tile_overlayer_lowered:
.L_overlay_start_2:
0x94: {  	(tag) =	ssettag $0x2  }
0x95: {  	s0 =	rddreg [dreg:$0x0];
	s2 =	stileid.u32  }
0x96: {  	s1 =	rddreg [dreg:$0x1];
	p0 =	sne.s32 s2, $0x0  }
0x97: {  	s3 =	rddreg [dreg:$0x2];
	[bflag:$0x3] =	sbarrier.arrive $0xFFFF;
	s2 =	simm.s32 @!p0 $0x1C05  }
0x98: {  	[timem:s3], [sflag:s2] =	dma.local @!p0 [hbm:s0], s1  }
0x99: {  	s0 =	simm.s32 @!p0 $0x5  }
0x9a: {  	_ =	swait.ge @!p0 [sflag:s0], s1  }
0x9b: {  	s1 =	ssub.s32 @!p0 $0x0, s1;
	[sflag:s0] =	ssyncset.done @!p0 $0x0  }
0x9c: {  	[sflag:s0] =	ssyncadd.s32 @!p0 s1  }
0x9d: {  	[bflag:$0x3] =	sbarrier.arrive $0xFFFF  }
0x9e: {  	_ =	shalt  }

// kernel: kernel.9.cloned.1.call-start
scs
__scs_entry_jumppad:
0x0: {  	(pc) =	sbr.rel $0x88, $3  }
0x1: {  	(tag) =	ssettag $0x0;
	lr =	simm.s32 $0x1  }
0x2: {  	[smem:$0x3F9B] =	sst lr;
	_ =	strace $0xD0000000  }
0x3: {  	_ = 	snop  }
0x4: {  	_ = 	snop  }
0x5: {  	_ = 	snop  }
0x6: {  	_ = 	snop  }
0x7: {  	_ = 	snop  }
__scs_overlays_trampoline_lowered:
0x8: {  	[smem:$0x3FAA] =	sst s0  }
0x9: {  	[smem:$0x3FAB] =	sst s1  }
0xa: {  	[smem:$0x3FAC] =	sst s2  }
0xb: {  	[smem:$0x3FAD] =	sst s3  }
0xc: {  	[smem:$0x3FAE] =	sst s4  }
0xd: {  	[smem:$0x3FAF] =	sst s5  }
0xe: {  	[smem:$0x3FB0] =	sst s6  }
0xf: {  	[smem:$0x3FB1] =	sst s7  }
0x10: {  	[smem:$0x3FB2] =	sst s8  }
0x11: {  	[smem:$0x3FB3] =	sst s9;
	s0 =	simm.s32 @!p0 $0x0  }
0x12: {  	s1 =	sld [smem:$0x3F99];
	s0 =	simm.s32 @p0 $0x1  }
0x13: {  	[smem:$0x3FB4] =	sst s0;
	s0 =	simm.s32 @!p1 $0x0  }
0x14: {  	s2 =	sld [smem:$0x3F98];
	s0 =	simm.s32 @p1 $0x1  }
0x15: {  	[smem:$0x3FB5] =	sst s0;
	s0 =	simm.s32 @!p2 $0x0  }
0x16: {  	s3 =	sld [smem:$0x3FDB];
	s0 =	simm.s32 @p2 $0x1  }
0x17: {  	s4 =	simm.s32 $0x1BF5;
	[smem:$0x3FB7] =	sst s0  }
0x18: {  	s0 =	sld [smem:$0x3F9A];
	_ =	swait.ge [sflag:s4], $0x0  }
0x19: {  	s7 =	sld [smem:$0x3F9B]  }
0x1a: {  	s8 =	sadd.s32 $0xFFFFE003, lr  }
0x1b: {  	s9 =	sadd.s32 $0xFFFFFEF7, lr;
	s5 =	simm.s32 $0xFFFFFFFF;
	p2 =	slt.u32 s8, $0xFFFFF086  }
0x1c: {  	p1 =	slt.u32 s9, $0xF7A;
	s5 =	simm.s32 @!p2 $0x0  }
0x1d: {  	s5 =	simm.s32 @p1 $0x1;
	p0 =	seq.s32 s7, s2  }
0x1e: {  	s7 =	smul.u32 @!p0 $0xF7A, s2;
	p2 =	seq.s32 @!p0 s5, $0x0  }
0x1f: {  	s9 =	smul.u32 $0xF7A, s1;
	s8 =	simm.s32 @!p0 $0x1BF5;
	p2 =	por !p2, p0  }
0x20: {  	[sflag:s8] =	ssyncset.s32 @!p0 $0xFFFFF086;
	s6 =	sadd.s32 @!p0 s3, s7;
	s7 =	simm.s32 @!p0 $0x108  }
0x21: {  	s3 =	sadd.s32 s3, s9;
	s6 =	sadd.s32 @!p0 $0x88, s6;
	s7 =	simm.s32 @p2 $0x1082  }
0x22: {  	[simem:s7], [sflag:s8] =	dma.local @!p0 [hbm:s6], $0xF7A  }
0x23: {  	s9 =	sor.u32 $0xD0000000, s2;
	s6 =	simm.s32 $0x108;
	_ =	swait.ge @!p0 [sflag:s8], $0x0  }
0x24: {  	s3 =	sadd.s32 $0x88, s3;
	s6 =	simm.s32 @!p1 $0x1082;
	[sflag:s4] =	ssyncset.s32 $0xFFFFF086  }
0x25: {  	[simem:s6], [sflag:s4] =	dma.local [hbm:s3], $0xF7A  }
0x26: {  	[smem:$0x3F9B] =	sst s1;
	(tag) =	ssettag s2;
	_ =	strace s9  }
0x27: {  	s1 =	sld [smem:$0x3FAB]  }
0x28: {  	s2 =	sld [smem:$0x3FAC]  }
0x29: {  	s4 =	sld [smem:$0x3FAE]  }
0x2a: {  	p0 =	seq.s32 s5, $0x0;
	s5 =	sld [smem:$0x3FAF]  }
0x2b: {  	s6 =	sld [smem:$0x3FB0]  }
0x2c: {  	s7 =	sld [smem:$0x3FB1]  }
0x2d: {  	s3 =	simm.s32 $0x108;
	s8 =	sld [smem:$0x3FB2]  }
0x2e: {  	s3 =	simm.s32 @!p0 $0x1082;
	s9 =	sld [smem:$0x3FB3]  }
0x2f: {  	lr =	sadd.s32 s0, s3;
	s0 =	sld [smem:$0x3FAA]  }
0x30: {  	s3 =	sld [smem:$0x3FAD]  }
0x31: {  	[smem:$0x3FB6] =	sst s10  }
0x32: {  	s10 =	sld [smem:$0x3FB4];
	_ =	sdelay $0x3  }
0x33: {  	p0 =	seq.s32 s10, $0x1;
	s10 =	sld [smem:$0x3FB6];
	_ =	sdelay $0x3  }
0x34: {  	[smem:$0x3FB6] =	sst s10  }
0x35: {  	s10 =	sld [smem:$0x3FB5];
	_ =	sdelay $0x3  }
0x36: {  	p1 =	seq.s32 s10, $0x1;
	s10 =	sld [smem:$0x3FB6];
	_ =	sdelay $0x3  }
0x37: {  	[smem:$0x3FB6] =	sst s10  }
0x38: {  	s10 =	sld [smem:$0x3FB7]  }
0x39: {  	_ = 	snop;
	(pc) =	sbr.ind lr, $3  }
0x3a: {  	_ = 	snop  }
0x3b: {  	_ = 	snop  }
0x3c: {  	p2 =	seq.s32 s10, $0x1;
	s10 =	sld [smem:$0x3FB6]  }
0x3d: {  	_ =	shalt  }
0x3e: {  	_ =	shalt  }
0x3f: {  	_ =	shalt  }
0x40: {  	_ =	shalt  }
0x41: {  	_ =	shalt  }
0x42: {  	_ =	shalt  }
0x43: {  	_ =	shalt  }
0x44: {  	_ =	shalt  }
0x45: {  	_ =	shalt  }
0x46: {  	_ =	shalt  }
0x47: {  	_ =	shalt  }
0x48: {  	_ =	shalt  }
0x49: {  	_ =	shalt  }
0x4a: {  	_ =	shalt  }
0x4b: {  	_ =	shalt  }
0x4c: {  	_ =	shalt  }
0x4d: {  	_ =	shalt  }
0x4e: {  	_ =	shalt  }
0x4f: {  	_ =	shalt  }
0x50: {  	_ =	shalt  }
0x51: {  	_ =	shalt  }
0x52: {  	_ =	shalt  }
0x53: {  	_ =	shalt  }
0x54: {  	_ =	shalt  }
0x55: {  	_ =	shalt  }
0x56: {  	_ =	shalt  }
0x57: {  	_ =	shalt  }
0x58: {  	_ =	shalt  }
0x59: {  	_ =	shalt  }
0x5a: {  	_ =	shalt  }
0x5b: {  	_ =	shalt  }
0x5c: {  	_ =	shalt  }
0x5d: {  	_ =	shalt  }
0x5e: {  	_ =	shalt  }
0x5f: {  	_ =	shalt  }
0x60: {  	_ =	shalt  }
0x61: {  	_ =	shalt  }
0x62: {  	_ =	shalt  }
0x63: {  	_ =	shalt  }
0x64: {  	_ =	shalt  }
0x65: {  	_ =	shalt  }
0x66: {  	_ =	shalt  }
0x67: {  	_ =	shalt  }
0x68: {  	_ =	shalt  }
0x69: {  	_ =	shalt  }
0x6a: {  	_ =	shalt  }
0x6b: {  	_ =	shalt  }
0x6c: {  	_ =	shalt  }
0x6d: {  	_ =	shalt  }
0x6e: {  	_ =	shalt  }
0x6f: {  	_ =	shalt  }
0x70: {  	_ =	shalt  }
0x71: {  	_ =	shalt  }
0x72: {  	_ =	shalt  }
0x73: {  	_ =	shalt  }
0x74: {  	_ =	shalt  }
0x75: {  	_ =	shalt  }
0x76: {  	_ =	shalt  }
0x77: {  	_ =	shalt  }
0x78: {  	_ =	shalt  }
0x79: {  	_ =	shalt  }
0x7a: {  	_ =	shalt  }
0x7b: {  	_ =	shalt  }
0x7c: {  	_ =	shalt  }
0x7d: {  	_ =	shalt  }
0x7e: {  	_ =	shalt  }
0x7f: {  	_ =	shalt  }
0x80: {  	_ =	shalt  }
0x81: {  	_ =	shalt  }
0x82: {  	_ =	shalt  }
0x83: {  	_ =	shalt  }
0x84: {  	_ =	shalt  }
0x85: {  	_ =	shalt  }
0x86: {  	_ =	shalt  }
0x87: {  	_ =	shalt  }
.Lfunc_end0:
.L_simem_size_0:
called_computation_lowered:
.L_overlay_start_0:
0x88: {  	s2 =	sld [smem:$0x3FD9]  }
0x89: {  	s3 =	sld [smem:$0x3FFE];
	_ =	sdelay $0x1  }
0x8a: {  	s1 =	srdreg.scid  }
0x8b: {  	s0 =	sand.u32 $0x1, s1  }
0x8c: {  	s16 =	sshll.u32 s0, $0xA;
	s2 =	sadd.s32 s3, s2  }
0x8d: {  	s2 =	sadd.s32 s2, s16  }
0x8e: {  	[smem:$0x3FC2] =	sst s2  }
0x8f: {  	_ = 	snop  }
0x90: {  	(tm) =	ssettm $0x1  }
0x91: {  	s17 =	sld [smem:$0x3FFB];
	_ =	sdelay $0x3  }
0x92: {  	_ =	strace s17  }
0x93: {  	s2 =	sld [smem:$0x3FFC];
	_ =	sdelay $0x3  }
0x94: {  	_ =	strace s2  }
0x95: {  	s2 =	sld [smem:$0x3FFD];
	_ =	sdelay $0x3  }
0x96: {  	_ =	strace s2  }
0x97: {  	_ =	strace $0x8FFFFFFF  }
0x98: {  	s18 =	sld [smem:$0x3FDB];
	_ =	sdelay $0x1  }
0x99: {  	s19 =	simm.s32 $_scs_section_size  }
0x9a: {  	s4 =	simm.s32 $_size__tile_overlayer_lowered;
	s5 =	simm.s32 $_tile_overlayer_lowered  }
0x9b: {  	s22 =	simm.s32 $0x1BFF;
	s21 =	sshll.u32 s5, $0x1;
	s2 =	sadd.s32 s19, s18  }
0x9c: {  	s6 =	simm.s32 $0x0;
	s20 =	sshll.u32 s4, $0x1;
	s4 =	sadd.s32 s21, s2  }
0x9d: {  	[timem:s6], [sflag:s22] =	dma.local [hbm:s4], s20  }
0x9e: {  	_ =	swait.ge [sflag:s22], s20  }
0x9f: {  	s3 =	ssub.s32 $0x0, s20;
	[sflag:s22] =	ssyncset.done $0x0  }
0xa0: {  	[sflag:s22] =	ssyncadd.s32 s3;
	_ =	sdelay $0x1  }
0xa1: {  	s23 =	simm.s32 $0x1B8B  }
0xa2: {  	_ =	swait.ge [sflag:s23], $0x1  }
0xa3: {  	[sflag:s23] =	ssyncset.done $0x0  }
0xa4: {  	s25 =	simm.s32 $0x1B8E;
	s24 =	sld [smem:$0x3FFE];
	[sflag:s23] =	ssyncadd.s32 $0xFFFFFFFF  }
0xa5: {  	s26 =	simm.s32 $execute0_lowered;
	[smem:$0x3FD2] =	sst s25  }
0xa6: {  	s4 =	sshll.u32 s26, $0x1;
	_ =	strace $0x80000046;
	[dreg:$0x1] =	wrdreg $0xFFFFFFFF  }
0xa7: {  	s28 =	simm.s32 $_size_execute0_lowered;
	s2 =	sadd.s32 s2, s4;
	[dreg:$0x0] =	wrdreg $0x0  }
0xa8: {  	s4 =	sshll.u32 s28, $0x1;
	[dreg:$0x2] =	wrdreg s2  }
0xa9: {  	[dreg:$0x3] =	wrdreg s4  }
0xaa: {  	[dreg:$0x4] =	wrdreg $0xC0  }
0xab: {  	_ =	task [dreg:s6], $0x5FFFF  }
0xac: {  	[dreg:$0x1] =	wrdreg $0xFFFFFFFF  }
0xad: {  	[dreg:$0x0] =	wrdreg $0x60  }
0xae: {  	[dreg:$0x2] =	wrdreg s24  }
0xaf: {  	[dreg:$0x3] =	wrdreg $0x3800  }
0xb0: {  	[dreg:$0x4] =	wrdreg $0x9  }
0xb1: {  	_ =	task.clear_ibuf [dreg:s6], $0x5FFFF;
	_ =	strace $0x90000046  }
0xb2: {  	s29 =	simm.s32 $0x9;
	_ =	strace $0x80000048  }
0xb3: {  	_ =	swait.ge [sflag:s29], $0x1  }
0xb4: {  	[sflag:s29] =	ssyncadd.s32 $0xFFFFFFFF  }
0xb5: {  	_ =	strace $0x90000048  }
0xb6: {  	_ =	sfence  }
0xb7: {  	s30 =	sld [smem:$0x0];
	_ =	sdelay $0x2  }
0xb8: {  	s31 =	sshll.u32 s1, $0xD;
	s1 =	sshrl.u32 s1, $0x2  }
0xb9: {  	s3 =	sand.u32 $0x4000, s31;
	s1 =	sadd.s32 s1, s30  }
0xba: {  	s0 =	sor.u32 s3, s0;
	s1 =	sshll.u32 s1, $0x11  }
0xbb: {  	s0 =	sor.u32 s1, s0  }
0xbc: {  	s0 =	sadd.s32 $0x8F2B, s0  }
0xbd: {  	[sflag:s0] =	ssyncadd.remote.s32 $0x1  }
0xbe: {  	_ =	sfence.sel $0xFFFF  }
0xbf: {  	[dreg:$0x0] =	wrdreg $0xFFFFFFFF;
	(pc) =	sbr.abs _section_cstart, $3  }
0xc0: {  	[dreg:$0x1] =	wrdreg $0xFFFFFFFF  }
0xc1: {  	_ =	task.clear_ibuf [dreg:s6], $0x2FFFF;
	_ =	strace $0x9FFFFFFF  }
0xc2: {  	(tm) =	ssettm $0x7FFFFFFF  }
0xc3: {  	_ =	shalt  }
tec
execute0_lowered:
.L_overlay_start_1:
0x0: {  	(tag) =	ssettag $0x1  }
0x1: {  	s5 =	rddreg [dreg:$0x0]  }
0x2: {  	s2 =	rddreg [dreg:$0x1]  }
0x3: {  	s0 =	rddreg [dreg:$0x2];
	s1 =	stileid.u32  }
0x4: {  	s4 =	srdreg.scid;
	s6 =	smul.u32 $0x278, s1  }
0x5: {  	s3 =	simm.s32 $0x0;
	s13 =	simm.s32 $0x0;
	s7 =	smul.u32 $0x500, s1  }
0x6: {  	s8 =	sand.u32 $0x1, s4;
	[smem:$0x7FF] =	sst s3;
	s4 =	sadd.s32 $0x6600, s5  }
0x7: {  	s9 =	smul.u32 $0x2780, s8;
	_ =	strace $0x80000047;
	s11 =	ssub.s32 $0x2, s8  }
0x8: {  	s8 =	smul.u32 $0x280, s8;
	s29 =	sshrl.u32 s6, $0x3;
	s10 =	sadd.s32 s7, s5  }
0x9: {  	s12 =	sshrl.u32 s11, $0x1;
	s30 =	sadd.s32 s29, s5;
	s9 =	sadd.s32 s6, s9  }
0xa: {  	s11 =	ssub.s32 s11, s12;
	s6 =	sadd.s32 s6, s2;
	s31 =	sadd.s32 s8, s10  }
0xb: {  	s10 =	simm.s32 $0x100;
	s12 =	simm.s32 $0x80;
	s9 =	sshrl.u32 s9, $0x3  }
0xc: {  	s8 =	smax.u32 s11, $0x1;
	s11 =	simm.s32 $0x1;
	s9 =	sadd.s32 s9, s5  }
0xd: {  	s5 =	sadd.s32 $0x6800, s30;
	s7 =	sadd.s32 $0x6E00, s9;
	s9 =	sadd.s32 $0x1600, s31  }
.LBB2_1:
0xe: {  	[tilespmem:s10], [sflag:$0x1] =	stream.linear.gather [hbm4b:s5+s3], $0x278, $0x38;
	[tilespmem:$0x5F8] =	vst v63  }
0xf: {  	_ =	swait.ge [sflag:s11], $0x278  }
0x10: {  	[sflag:s11] =	ssyncset.done $0x0  }
0x11: {  	[sflag:s11] =	ssyncadd.s32 $0xFFFFFD88  }
0x12: {  	[spmem:s6] =	stream.linear.scatter [tilespmem:s10], [sflag:$0x1], $0x278, $0x38;
	[tilespmem:$0x5F8] =	vst v63  }
0x13: {  	_ =	swait.ge [sflag:s11], $0x278  }
0x14: {  	[sflag:s11] =	ssyncset.done $0x0  }
0x15: {  	[sflag:s11] =	ssyncadd.s32 $0xFFFFFD88  }
0x16: {  	[tilespmem:s12], [sflag:$0x1] =	stream.linear.gather [hbm4b:s4+s3], $0x80, $0x38;
	[tilespmem:$0x5F8] =	vst v63  }
0x17: {  	_ =	swait.ge [sflag:s11], $0x80  }
0x18: {  	[sflag:s11] =	ssyncset.done $0x0  }
0x19: {  	[sflag:s11] =	ssyncadd.s32 $0xFFFFFF80  }
0x1a: {  	s14 =	sadd.s32 $0x0, s9;
	[bflag:$0x0] =	sbarrier.arrive $0xFFFF  }
0x1b: {  	[tilespmem:s3], [sflag:$0x1] =	stream.linear.gather [hbm4b:s14+s3], $0x80, $0x38;
	[tilespmem:$0x5F8] =	vst v63  }
0x1c: {  	_ =	swait.ge [sflag:s11], $0x80  }
0x1d: {  	[sflag:s11] =	ssyncset.done $0x0  }
0x1e: {  	[sflag:s11] =	ssyncadd.s32 $0xFFFFFF80  }
0x1f: {  	[spmem:s2] =	stream.indirect.scatter.add.f32 [tilespmem:s12], [sflag:$0x1], $0x1, s3, s12, $0xb8;
	[tilespmem:$0x5F8] =	vst v63  }
0x20: {  	_ =	swait.ge [sflag:s11], $0x80  }
0x21: {  	s15 =	simm.s32 $0x20;
	s14 =	simm.s32 $0x10;
	[sflag:s11] =	ssyncset.done $0x0  }
.LBB2_2:
0x22: {  	s16 =	sadd.s32 s14, s9  }
0x23: {  	[sflag:s11] =	ssyncadd.s32 $0xFFFFFF80;
	s14 =	smov.u32 s15;
	s17 =	sadd.s32 $0x10, s15  }
0x24: {  	[tilespmem:s3], [sflag:$0x1] =	stream.linear.gather [hbm4b:s16+s3], $0x80, $0x38;
	[tilespmem:$0x5F8] =	vst v63  }
0x25: {  	p0 =	sne.s32 s15, $0x270;
	_ =	swait.ge [sflag:s11], $0x80  }
.Ltmp0:
0x26: {  	[sflag:s11] =	ssyncset.done $0x0;
	(pc) =	sbr.rel @p0 .LBB2_2-.Ltmp0, $4  }
0x27: {  	[sflag:s11] =	ssyncadd.s32 $0xFFFFFF80  }
0x28: {  	[spmem:s2] =	stream.indirect.scatter.add.f32 [tilespmem:s12], [sflag:$0x1], $0x1, s3, s12, $0xb8;
	[tilespmem:$0x5F8] =	vst v63  }
0x29: {  	_ =	swait.ge [sflag:s11], $0x80  }
0x2a: {  	s15 =	smov.u32 s17;
	[sflag:s11] =	ssyncset.done $0x0  }
0x2b: {  	s14 =	sadd.s32 s14, s9;
	[sflag:s11] =	ssyncadd.s32 $0xFFFFFF80  }
0x2c: {  	[tilespmem:s3], [sflag:$0x1] =	stream.linear.gather [hbm4b:s14+s3], $0x80, $0x38;
	[tilespmem:$0x5F8] =	vst v63  }
0x2d: {  	_ =	swait.ge [sflag:s11], $0x80  }
0x2e: {  	[sflag:s11] =	ssyncset.done $0x0  }
0x2f: {  	[sflag:s11] =	ssyncadd.s32 $0xFFFFFF80  }
0x30: {  	[spmem:s2] =	stream.indirect.scatter.add.f32 [tilespmem:s12], [sflag:$0x1], $0x1, s3, s12, $0xb8;
	[tilespmem:$0x5F8] =	vst v63  }
0x31: {  	_ =	swait.ge [sflag:s11], $0x80  }
0x32: {  	[sflag:s11] =	ssyncset.done $0x0  }
0x33: {  	[sflag:s11] =	ssyncadd.s32 $0xFFFFFF80  }
0x34: {  	[bflag:$0x0] =	sbarrier.arrive $0xFFFF  }
0x35: {  	[tilespmem:s10], [sflag:$0x1] =	stream.linear.gather [spmem:s6], $0x278, $0x38;
	[tilespmem:$0x5F8] =	vst v63  }
0x36: {  	s13 =	sadd.s32 $0x1, s13;
	_ =	swait.ge [sflag:s11], $0x278  }
0x37: {  	p0 =	sne.s32 s13, s8;
	[sflag:s11] =	ssyncset.done $0x0  }
.Ltmp1:
0x38: {  	[sflag:s11] =	ssyncadd.s32 $0xFFFFFD88;
	(pc) =	sbr.rel @p0 .LBB2_1-.Ltmp1, $4  }
0x39: {  	[hbm4b:s7+s3] =	stream.linear.scatter [tilespmem:s10], [sflag:$0x1], $0x278, $0x38;
	[tilespmem:$0x5F8] =	vst v63  }
0x3a: {  	_ =	swait.ge [sflag:s11], $0x278  }
0x3b: {  	[sflag:s11] =	ssyncset.done $0x0  }
0x3c: {  	[sflag:s11] =	ssyncadd.s32 $0xFFFFFD88  }
0x3d: {  	_ =	sfence.sel $0x180000  }
0x3e: {  	[bflag:$0x0] =	sbarrier.arrive $0xFFFF  }
0x3f: {  	p0 =	sne.s32 s1, $0x0;
	_ =	strace $0x90000047  }
0x40: {  	s0 =	sadd.s32 @!p0 $0x100000, s0;
	[bflag:$0x2] =	sbarrier.arrive $0xFFFF  }
0x41: {  	[sflag:s0] =	ssyncadd.tile.s32 @!p0 $0x1;
	_ =	shalt  }
.Lfunc_end2:
_tile_overlayer_lowered:
.L_overlay_start_2:
0x42: {  	(tag) =	ssettag $0x2  }
0x43: {  	s0 =	rddreg [dreg:$0x0];
	s2 =	stileid.u32  }
0x44: {  	s1 =	rddreg [dreg:$0x1];
	p0 =	sne.s32 s2, $0x0  }
0x45: {  	s3 =	rddreg [dreg:$0x2];
	[bflag:$0x3] =	sbarrier.arrive $0xFFFF;
	s2 =	simm.s32 @!p0 $0x1C01  }
0x46: {  	[timem:s3], [sflag:s2] =	dma.local @!p0 [hbm:s0], s1  }
0x47: {  	s0 =	simm.s32 @!p0 $0x1  }
0x48: {  	_ =	swait.ge @!p0 [sflag:s0], s1  }
0x49: {  	s1 =	ssub.s32 @!p0 $0x0, s1;
	[sflag:s0] =	ssyncset.done @!p0 $0x0  }
0x4a: {  	[sflag:s0] =	ssyncadd.s32 @!p0 s1  }
0x4b: {  	[bflag:$0x3] =	sbarrier.arrive $0xFFFF  }
0x4c: {  	_ =	shalt  }

</sc_bundles>
